<compile_context>
chip_gen: v7x
topology: tpu7x:2x2x1
jax: 0.10.2.dev20260603
libtpu: 0.0.44.dev20260713+nightly
codegen_flags: <defaults>
</compile_context>

<pallas_src>
import functools

import jax
import jax.numpy as jnp
from jax import lax
from jax.experimental import pallas as pl
from jax.experimental.pallas import tpu as pltpu
from jax.experimental.pallas import tpu_sc as plsc

B, L, D = 4096, 200, 128
NC, NS = 2, 16
NW = NC * NS
ROWS_PER_W = B // NW
CHUNK = 100
CHUNKS_PER_ROW = L // CHUNK
CHUNKS_PER_W = ROWS_PER_W * CHUNKS_PER_ROW
NLANE = 16
NVEC = D // NLANE

ROWS_PER_GROUP = 2
NBUF = CHUNKS_PER_ROW * ROWS_PER_GROUP
GROUPS = CHUNKS_PER_W // NBUF

_MESH = plsc.VectorSubcoreMesh(
    core_axis_name="c", subcore_axis_name="s", num_cores=NC, num_subcores=NS
)


def _rsqrt16(sv):
    i = plsc.bitcast(sv, jnp.int32)
    y = plsc.bitcast(jnp.int32(0x5F3759DF) - (i >> 1), jnp.float32)
    for _ in range(3):
        y = y * (1.5 - 0.5 * sv * y * y)
    return y


@functools.partial(
    pl.kernel,
    out_type=jax.ShapeDtypeStruct((B, D), jnp.float32),
    mesh=_MESH,
    scratch_types=(
        [pltpu.VMEM((CHUNKS_PER_W // 2, 2, CHUNK), jnp.int32)]
        + [pltpu.VMEM((CHUNK, D), jnp.float32)] * NBUF
        + [pltpu.VMEM((ROWS_PER_GROUP, D), jnp.float32)]
        + [pltpu.SemaphoreType.DMA] * (NBUF + 1)
    ),
    compiler_params=pltpu.CompilerParams(needs_layout_passes=False),
)
def _sc_embed_pool(table_hbm, idx_hbm, out_hbm, idx_v, *bufs):
    rows = bufs[:NBUF]
    out_v = bufs[NBUF]
    sems = bufs[NBUF + 1:NBUF + 1 + NBUF]
    outsem = bufs[NBUF + 1 + NBUF]
    wid = lax.axis_index("s") * NC + lax.axis_index("c")
    cbase = wid * (CHUNKS_PER_W // 2)
    pltpu.sync_copy(idx_hbm.at[pl.ds(cbase, CHUNKS_PER_W // 2)], idx_v)

    for b in range(NBUF):
        pltpu.async_copy(
            table_hbm.at[idx_v.at[b // 2, b % 2]], rows[b], sems[b]
        )

    def group_fn(g, carry):
        @pl.when(g > 0)
        def _drain_out():
            pltpu.make_async_copy(
                out_v, out_hbm.at[pl.ds(0, ROWS_PER_GROUP)], outsem
            ).wait()

        for rr in range(ROWS_PER_GROUP):
            accs = tuple(jnp.zeros((NLANE,), jnp.float32) for _ in range(NVEC))
            for h in range(CHUNKS_PER_ROW):
                k = CHUNKS_PER_ROW * rr + h

                pltpu.make_async_copy(
                    table_hbm.at[idx_v.at[0, 0]], rows[k], sems[k]
                ).wait()

                def j_fn(j, a, _rv=rows[k]):
                    return tuple(
                        a[d] + _rv[j, pl.ds(NLANE * d, NLANE)]
                        for d in range(NVEC)
                    )

                accs = lax.fori_loop(0, CHUNK, j_fn, accs, unroll=4)

                nxt = NBUF * g + k + NBUF

                @pl.when(nxt < CHUNKS_PER_W)
                def _refill(_k=k, _nxt=nxt):
                    pltpu.async_copy(
                        table_hbm.at[idx_v.at[_nxt // 2, _k % 2]],
                        rows[_k],
                        sems[_k],
                    )

            ssq = accs[0] * accs[0]
            for d in range(1, NVEC):
                ssq = ssq + accs[d] * accs[d]
            s = ssq[0]
            for lane in range(1, NLANE):
                s = s + ssq[lane]
            s = s * jnp.float32((1.0 / L) ** 2)
            sv = jnp.maximum(jnp.broadcast_to(s, (NLANE,)), jnp.float32(1e-12))
            scale = _rsqrt16(sv) * jnp.float32(1.0 / L)
            for d in range(NVEC):
                out_v[rr, pl.ds(NLANE * d, NLANE)] = accs[d] * scale

        pltpu.async_copy(
            out_v,
            out_hbm.at[pl.ds(wid * ROWS_PER_W + ROWS_PER_GROUP * g,
                             ROWS_PER_GROUP)],
            outsem,
        )
        return carry

    lax.fori_loop(0, GROUPS, group_fn, 0)
    pltpu.make_async_copy(
        out_v, out_hbm.at[pl.ds(0, ROWS_PER_GROUP)], outsem
    ).wait()


def kernel(indices, emb_table):
    idx2 = indices.reshape(B * CHUNKS_PER_ROW // 2, 2, CHUNK).astype(jnp.int32)
    return _sc_embed_pool(emb_table, idx2)

# --- scband reference (transcript-rebuilt; emitter-appended) ---
"""Pipeline reference for scband-text-encoder-14611478741460 (READ-ONLY COPY).

The authoritative reference and input builder live on the scoring server;
editing this copy changes nothing except your own understanding.
"""

import jax, jax.numpy as jnp
import numpy as np

def setup_inputs(seed: int = 0) -> dict:
    key = jax.random.key(seed)
    k1, k2 = jax.random.split(key)
    indices = jax.random.randint(k1, (4096, 200), 0, 100000, dtype=jnp.int64 if jax.config.jax_enable_x64 else jnp.int32)
    emb_table = jax.random.normal(k2, (100000, 128), dtype=jnp.float32)
    return {"indices": indices, "emb_table": emb_table}

def reference(indices, emb_table):
    # TextVectorization is a preprocessing step; we start from integer token ids.
    # Embedding lookup: gather rows from the table.
    emb = jnp.take(emb_table, indices, axis=0)          # [B, L, D]
    # GlobalAveragePooling1D: mean over the sequence axis.
    pooled = jnp.mean(emb, axis=1)                      # [B, D]
    # tf.nn.l2_normalize(embeddings, axis=-1)
    norm = jnp.sqrt(jnp.maximum(jnp.sum(pooled * pooled, axis=-1, keepdims=True), 1e-12))
    out = pooled / norm
    return out

if __name__ == "__main__":
    import jax
    _d = setup_inputs()
    print(jax.jit(kernel)(*tuple(_d.values())))

</pallas_src>

<mosaic_0001>
#map = affine_map<(d0, d1) -> (0, 0)>
#map1 = affine_map<(d0, d1) -> (0, 0, 0)>
module attributes {stable_mosaic.version = 14 : i64} {
  func.func @_sc_embed_pool(%arg0: i32, %arg1: i32, %arg2: memref<100000x128xf32, #tpu.memory_space<hbm>>, %arg3: memref<4096x2x100xi32, #tpu.memory_space<hbm>>, %arg4: memref<4096x128xf32, #tpu.memory_space<hbm>>, %arg5: memref<128x2x100xi32, #tpu.memory_space<vmem>>, %arg6: memref<100x128xf32, #tpu.memory_space<vmem>>, %arg7: memref<100x128xf32, #tpu.memory_space<vmem>>, %arg8: memref<100x128xf32, #tpu.memory_space<vmem>>, %arg9: memref<100x128xf32, #tpu.memory_space<vmem>>, %arg10: memref<2x128xf32, #tpu.memory_space<vmem>>, %arg11: memref<!tpu.dma_semaphore, #tpu.memory_space<semaphore_mem>>, %arg12: memref<!tpu.dma_semaphore, #tpu.memory_space<semaphore_mem>>, %arg13: memref<!tpu.dma_semaphore, #tpu.memory_space<semaphore_mem>>, %arg14: memref<!tpu.dma_semaphore, #tpu.memory_space<semaphore_mem>>, %arg15: memref<!tpu.dma_semaphore, #tpu.memory_space<semaphore_mem>>) attributes {dimension_semantics = [#tpu.dimension_semantics<core_parallel>, #tpu.dimension_semantics<subcore_parallel>], iteration_bounds = array<i64: 2, 16>, scalar_prefetch = 0 : i64, scratch_operands = 11 : i64, tpu.core_type = #tpu.core_type<sc_vector_subcore>, window_params = [{transform_indices = #map}, {transform_indices = #map1}, {transform_indices = #map}]} {
    %mul3A = arith.constant 2 : i32
    %mul3A_0 = arith.muli %arg1, %mul3A : i32
    %add3A = arith.addi %mul3A_0, %arg0 : i32
    %mul3A_1 = arith.constant 128 : i32
    %mul3A_2 = arith.muli %add3A, %mul3A_1 : i32
    "tpu.region"() ({
      %run_scoped3A = tpu.sem_alloc : memref<!tpu.dma_semaphore, #tpu.memory_space<semaphore_mem>>
      %dma_start3A_44 = arith.constant 0 : i32
      %dma_start3A_45 = arith.constant 0 : i32
      %dma_start3A_46 = tpu.memref_slice %arg3[%mul3A_2, %dma_start3A_44, %dma_start3A_45] : memref<4096x2x100xi32, #tpu.memory_space<hbm>> -> memref<128x2x100xi32, #tpu.memory_space<hbm>>
      %dma_start3A_47 = arith.constant 0 : i32
      %dma_start3A_48 = arith.constant 0 : i32
      %dma_start3A_49 = tpu.memref_slice %arg3[%mul3A_2, %dma_start3A_47, %dma_start3A_48] : memref<4096x2x100xi32, #tpu.memory_space<hbm>> -> memref<128x2x100xi32, #tpu.memory_space<hbm>>
      tpu.enqueue_dma source(%dma_start3A_49 : memref<128x2x100xi32, #tpu.memory_space<hbm>>) target(%arg5 : memref<128x2x100xi32, #tpu.memory_space<vmem>>) target_semaphore(%run_scoped3A : memref<!tpu.dma_semaphore, #tpu.memory_space<semaphore_mem>>)
      %dma_wait3A_50 = arith.constant 0 : i32
      %dma_wait3A_51 = arith.constant 0 : i32
      %dma_wait3A_52 = tpu.memref_slice %arg3[%mul3A_2, %dma_wait3A_50, %dma_wait3A_51] : memref<4096x2x100xi32, #tpu.memory_space<hbm>> -> memref<128x2x100xi32, #tpu.memory_space<hbm>>
      %dma_wait3A_53 = arith.constant 0 : i32
      %dma_wait3A_54 = arith.constant 0 : i32
      %dma_wait3A_55 = tpu.memref_slice %arg3[%mul3A_2, %dma_wait3A_53, %dma_wait3A_54] : memref<4096x2x100xi32, #tpu.memory_space<hbm>> -> memref<128x2x100xi32, #tpu.memory_space<hbm>>
      tpu.wait_dma2 semaphore(%run_scoped3A : memref<!tpu.dma_semaphore, #tpu.memory_space<semaphore_mem>>) src(%dma_wait3A_55 : memref<128x2x100xi32, #tpu.memory_space<hbm>>) dst(%arg5 : memref<128x2x100xi32, #tpu.memory_space<vmem>>)
      tpu.yield
    }) : () -> ()
    %dma_start3A = arith.constant 0 : i32
    %dma_start3A_3 = arith.constant 0 : i32
    %dma_start3A_4 = arith.constant 0 : i32
    %dma_start3A_5 = tpu.memref_slice %arg5[%dma_start3A, %dma_start3A_3, %dma_start3A_4] : memref<128x2x100xi32, #tpu.memory_space<vmem>> -> memref<1x1x100xi32, #tpu.memory_space<vmem>>
    %dma_start3A_6 = tpu.memref_squeeze %dma_start3A_5 : memref<1x1x100xi32, #tpu.memory_space<vmem>> -> memref<100xi32, #tpu.memory_space<vmem>>
    %dma_start3A_7 = arith.constant 0 : i32
    %dma_start3A_8 = arith.constant 0 : i32
    %dma_start3A_9 = tpu.memref_slice %arg2[%dma_start3A_7, %dma_start3A_8] : memref<100000x128xf32, #tpu.memory_space<hbm>> -> memref<100000x128xf32, #tpu.memory_space<hbm>>
    tpu.enqueue_indirect_dma source(%dma_start3A_9 : memref<100000x128xf32, #tpu.memory_space<hbm>>) target(%arg6 : memref<100x128xf32, #tpu.memory_space<vmem>>) offsets(%dma_start3A_6 : memref<100xi32, #tpu.memory_space<vmem>>) semaphore(%arg11 : memref<!tpu.dma_semaphore, #tpu.memory_space<semaphore_mem>>)
    %dma_start3A_10 = arith.constant 0 : i32
    %dma_start3A_11 = arith.constant 1 : i32
    %dma_start3A_12 = arith.constant 0 : i32
    %dma_start3A_13 = tpu.memref_slice %arg5[%dma_start3A_10, %dma_start3A_11, %dma_start3A_12] : memref<128x2x100xi32, #tpu.memory_space<vmem>> -> memref<1x1x100xi32, #tpu.memory_space<vmem>>
    %dma_start3A_14 = tpu.memref_squeeze %dma_start3A_13 : memref<1x1x100xi32, #tpu.memory_space<vmem>> -> memref<100xi32, #tpu.memory_space<vmem>>
    %dma_start3A_15 = arith.constant 0 : i32
    %dma_start3A_16 = arith.constant 0 : i32
    %dma_start3A_17 = tpu.memref_slice %arg2[%dma_start3A_15, %dma_start3A_16] : memref<100000x128xf32, #tpu.memory_space<hbm>> -> memref<100000x128xf32, #tpu.memory_space<hbm>>
    tpu.enqueue_indirect_dma source(%dma_start3A_17 : memref<100000x128xf32, #tpu.memory_space<hbm>>) target(%arg7 : memref<100x128xf32, #tpu.memory_space<vmem>>) offsets(%dma_start3A_14 : memref<100xi32, #tpu.memory_space<vmem>>) semaphore(%arg12 : memref<!tpu.dma_semaphore, #tpu.memory_space<semaphore_mem>>)
    %dma_start3A_18 = arith.constant 1 : i32
    %dma_start3A_19 = arith.constant 0 : i32
    %dma_start3A_20 = arith.constant 0 : i32
    %dma_start3A_21 = tpu.memref_slice %arg5[%dma_start3A_18, %dma_start3A_19, %dma_start3A_20] : memref<128x2x100xi32, #tpu.memory_space<vmem>> -> memref<1x1x100xi32, #tpu.memory_space<vmem>>
    %dma_start3A_22 = tpu.memref_squeeze %dma_start3A_21 : memref<1x1x100xi32, #tpu.memory_space<vmem>> -> memref<100xi32, #tpu.memory_space<vmem>>
    %dma_start3A_23 = arith.constant 0 : i32
    %dma_start3A_24 = arith.constant 0 : i32
    %dma_start3A_25 = tpu.memref_slice %arg2[%dma_start3A_23, %dma_start3A_24] : memref<100000x128xf32, #tpu.memory_space<hbm>> -> memref<100000x128xf32, #tpu.memory_space<hbm>>
    tpu.enqueue_indirect_dma source(%dma_start3A_25 : memref<100000x128xf32, #tpu.memory_space<hbm>>) target(%arg8 : memref<100x128xf32, #tpu.memory_space<vmem>>) offsets(%dma_start3A_22 : memref<100xi32, #tpu.memory_space<vmem>>) semaphore(%arg13 : memref<!tpu.dma_semaphore, #tpu.memory_space<semaphore_mem>>)
    %dma_start3A_26 = arith.constant 1 : i32
    %dma_start3A_27 = arith.constant 1 : i32
    %dma_start3A_28 = arith.constant 0 : i32
    %dma_start3A_29 = tpu.memref_slice %arg5[%dma_start3A_26, %dma_start3A_27, %dma_start3A_28] : memref<128x2x100xi32, #tpu.memory_space<vmem>> -> memref<1x1x100xi32, #tpu.memory_space<vmem>>
    %dma_start3A_30 = tpu.memref_squeeze %dma_start3A_29 : memref<1x1x100xi32, #tpu.memory_space<vmem>> -> memref<100xi32, #tpu.memory_space<vmem>>
    %dma_start3A_31 = arith.constant 0 : i32
    %dma_start3A_32 = arith.constant 0 : i32
    %dma_start3A_33 = tpu.memref_slice %arg2[%dma_start3A_31, %dma_start3A_32] : memref<100000x128xf32, #tpu.memory_space<hbm>> -> memref<100000x128xf32, #tpu.memory_space<hbm>>
    tpu.enqueue_indirect_dma source(%dma_start3A_33 : memref<100000x128xf32, #tpu.memory_space<hbm>>) target(%arg9 : memref<100x128xf32, #tpu.memory_space<vmem>>) offsets(%dma_start3A_30 : memref<100xi32, #tpu.memory_space<vmem>>) semaphore(%arg14 : memref<!tpu.dma_semaphore, #tpu.memory_space<semaphore_mem>>)
    %scan3A = arith.constant 0 : i32
    %scan3A_34 = arith.constant 0 : i32
    %scan3A_35 = arith.constant 64 : i32
    %scan3A_36 = arith.addi %scan3A_34, %scan3A_35 : i32
    %scan3A_37 = arith.constant 1 : i32
    scf.for %scan3A_44 = %scan3A_34 to %scan3A_36 step %scan3A_37  : i32 {
      %gt3A = arith.constant 0 : i32
      %gt3A_45 = arith.cmpi sgt, %scan3A_44, %gt3A : i32
      %convert_element_type3A = arith.extui %gt3A_45 : i1 to i32
      %cond3A = arith.constant 0 : i32
      %cond3A_46 = arith.cmpi ne, %convert_element_type3A, %cond3A : i32
      scf.if %cond3A_46 {
        %dma_wait3A_471 = arith.constant 0 : i32
        %dma_wait3A_472 = arith.constant 0 : i32
        %dma_wait3A_473 = tpu.memref_slice %arg4[%dma_wait3A_471, %dma_wait3A_472] : memref<4096x128xf32, #tpu.memory_space<hbm>> -> memref<2x128xf32, #tpu.memory_space<hbm>>
        %dma_wait3A_474 = arith.constant 0 : i32
        %dma_wait3A_475 = arith.constant 0 : i32
        %dma_wait3A_476 = tpu.memref_slice %arg4[%dma_wait3A_474, %dma_wait3A_475] : memref<4096x128xf32, #tpu.memory_space<hbm>> -> memref<2x128xf32, #tpu.memory_space<hbm>>
        tpu.wait_dma2 semaphore(%arg15 : memref<!tpu.dma_semaphore, #tpu.memory_space<semaphore_mem>>) src(%arg10 : memref<2x128xf32, #tpu.memory_space<vmem>>) dst(%dma_wait3A_476 : memref<2x128xf32, #tpu.memory_space<hbm>>)
      } else {
      }
      %broadcast_in_dim3A = arith.constant 0.000000e+00 : f32
      %broadcast_in_dim3A_47 = vector.broadcast %broadcast_in_dim3A : f32 to vector<16xf32>
      %broadcast_in_dim3A_48 = arith.constant 0.000000e+00 : f32
      %broadcast_in_dim3A_49 = vector.broadcast %broadcast_in_dim3A_48 : f32 to vector<16xf32>
      %broadcast_in_dim3A_50 = arith.constant 0.000000e+00 : f32
      %broadcast_in_dim3A_51 = vector.broadcast %broadcast_in_dim3A_50 : f32 to vector<16xf32>
      %broadcast_in_dim3A_52 = arith.constant 0.000000e+00 : f32
      %broadcast_in_dim3A_53 = vector.broadcast %broadcast_in_dim3A_52 : f32 to vector<16xf32>
      %broadcast_in_dim3A_54 = arith.constant 0.000000e+00 : f32
      %broadcast_in_dim3A_55 = vector.broadcast %broadcast_in_dim3A_54 : f32 to vector<16xf32>
      %broadcast_in_dim3A_56 = arith.constant 0.000000e+00 : f32
      %broadcast_in_dim3A_57 = vector.broadcast %broadcast_in_dim3A_56 : f32 to vector<16xf32>
      %broadcast_in_dim3A_58 = arith.constant 0.000000e+00 : f32
      %broadcast_in_dim3A_59 = vector.broadcast %broadcast_in_dim3A_58 : f32 to vector<16xf32>
      %broadcast_in_dim3A_60 = arith.constant 0.000000e+00 : f32
      %broadcast_in_dim3A_61 = vector.broadcast %broadcast_in_dim3A_60 : f32 to vector<16xf32>
      %dma_wait3A_62 = arith.constant 0 : i32
      %dma_wait3A_63 = arith.constant 0 : i32
      %dma_wait3A_64 = arith.constant 0 : i32
      %dma_wait3A_65 = tpu.memref_slice %arg5[%dma_wait3A_62, %dma_wait3A_63, %dma_wait3A_64] : memref<128x2x100xi32, #tpu.memory_space<vmem>> -> memref<1x1x100xi32, #tpu.memory_space<vmem>>
      %dma_wait3A_66 = tpu.memref_squeeze %dma_wait3A_65 : memref<1x1x100xi32, #tpu.memory_space<vmem>> -> memref<100xi32, #tpu.memory_space<vmem>>
      %dma_wait3A_67 = arith.constant 0 : i32
      %dma_wait3A_68 = arith.constant 0 : i32
      %dma_wait3A_69 = tpu.memref_slice %arg2[%dma_wait3A_67, %dma_wait3A_68] : memref<100000x128xf32, #tpu.memory_space<hbm>> -> memref<100000x128xf32, #tpu.memory_space<hbm>>
      tpu.wait_indirect_dma semaphore(%arg11 : memref<!tpu.dma_semaphore, #tpu.memory_space<semaphore_mem>>) src(%dma_wait3A_69 : memref<100000x128xf32, #tpu.memory_space<hbm>>) dst(%arg6 : memref<100x128xf32, #tpu.memory_space<vmem>>)
      %scan3A_70 = arith.constant 0 : i32
      %scan3A_71 = arith.constant 100 : i32
      %scan3A_72 = arith.addi %scan3A_70, %scan3A_71 : i32
      %scan3A_73 = arith.constant 4 : i32
      %scan3A_74:8 = scf.for %scan3A_471 = %scan3A_70 to %scan3A_72 step %scan3A_73 iter_args(%scan3A_472 = %broadcast_in_dim3A_47, %scan3A_473 = %broadcast_in_dim3A_49, %scan3A_474 = %broadcast_in_dim3A_51, %scan3A_475 = %broadcast_in_dim3A_53, %scan3A_476 = %broadcast_in_dim3A_55, %scan3A_477 = %broadcast_in_dim3A_57, %scan3A_478 = %broadcast_in_dim3A_59, %scan3A_479 = %broadcast_in_dim3A_61) -> (vector<16xf32>, vector<16xf32>, vector<16xf32>, vector<16xf32>, vector<16xf32>, vector<16xf32>, vector<16xf32>, vector<16xf32>)  : i32 {
        %get3A = arith.index_cast %scan3A_471 : i32 to index
        %get3A_480 = arith.constant 0 : index
        %get3A_481 = tpu.vector_load %arg6[%get3A, %get3A_480] {strides = array<i32>} : memref<100x128xf32, #tpu.memory_space<vmem>>, vector<16xf32>,
        %add3A_482 = arith.addf %scan3A_472, %get3A_481 : vector<16xf32>
        %get3A_483 = arith.index_cast %scan3A_471 : i32 to index
        %get3A_484 = arith.constant 16 : index
        %get3A_485 = tpu.vector_load %arg6[%get3A_483, %get3A_484] {strides = array<i32>} : memref<100x128xf32, #tpu.memory_space<vmem>>, vector<16xf32>,
        %add3A_486 = arith.addf %scan3A_473, %get3A_485 : vector<16xf32>
        %get3A_487 = arith.index_cast %scan3A_471 : i32 to index
        %get3A_488 = arith.constant 32 : index
        %get3A_489 = tpu.vector_load %arg6[%get3A_487, %get3A_488] {strides = array<i32>} : memref<100x128xf32, #tpu.memory_space<vmem>>, vector<16xf32>,
        %add3A_490 = arith.addf %scan3A_474, %get3A_489 : vector<16xf32>
        %get3A_491 = arith.index_cast %scan3A_471 : i32 to index
        %get3A_492 = arith.constant 48 : index
        %get3A_493 = tpu.vector_load %arg6[%get3A_491, %get3A_492] {strides = array<i32>} : memref<100x128xf32, #tpu.memory_space<vmem>>, vector<16xf32>,
        %add3A_494 = arith.addf %scan3A_475, %get3A_493 : vector<16xf32>
        %get3A_495 = arith.index_cast %scan3A_471 : i32 to index
        %get3A_496 = arith.constant 64 : index
        %get3A_497 = tpu.vector_load %arg6[%get3A_495, %get3A_496] {strides = array<i32>} : memref<100x128xf32, #tpu.memory_space<vmem>>, vector<16xf32>,
        %add3A_498 = arith.addf %scan3A_476, %get3A_497 : vector<16xf32>
        %get3A_499 = arith.index_cast %scan3A_471 : i32 to index
        %get3A_500 = arith.constant 80 : index
        %get3A_501 = tpu.vector_load %arg6[%get3A_499, %get3A_500] {strides = array<i32>} : memref<100x128xf32, #tpu.memory_space<vmem>>, vector<16xf32>,
        %add3A_502 = arith.addf %scan3A_477, %get3A_501 : vector<16xf32>
        %get3A_503 = arith.index_cast %scan3A_471 : i32 to index
        %get3A_504 = arith.constant 96 : index
        %get3A_505 = tpu.vector_load %arg6[%get3A_503, %get3A_504] {strides = array<i32>} : memref<100x128xf32, #tpu.memory_space<vmem>>, vector<16xf32>,
        %add3A_506 = arith.addf %scan3A_478, %get3A_505 : vector<16xf32>
        %get3A_507 = arith.index_cast %scan3A_471 : i32 to index
        %get3A_508 = arith.constant 112 : index
        %get3A_509 = tpu.vector_load %arg6[%get3A_507, %get3A_508] {strides = array<i32>} : memref<100x128xf32, #tpu.memory_space<vmem>>, vector<16xf32>,
        %add3A_510 = arith.addf %scan3A_479, %get3A_509 : vector<16xf32>
        %scan3A_511 = arith.constant 1 : i32
        %scan3A_512 = arith.addi %scan3A_471, %scan3A_511 : i32
        %get3A_513 = arith.index_cast %scan3A_512 : i32 to index
        %get3A_514 = arith.constant 0 : index
        %get3A_515 = tpu.vector_load %arg6[%get3A_513, %get3A_514] {strides = array<i32>} : memref<100x128xf32, #tpu.memory_space<vmem>>, vector<16xf32>,
        %add3A_516 = arith.addf %add3A_482, %get3A_515 : vector<16xf32>
        %get3A_517 = arith.index_cast %scan3A_512 : i32 to index
        %get3A_518 = arith.constant 16 : index
        %get3A_519 = tpu.vector_load %arg6[%get3A_517, %get3A_518] {strides = array<i32>} : memref<100x128xf32, #tpu.memory_space<vmem>>, vector<16xf32>,
        %add3A_520 = arith.addf %add3A_486, %get3A_519 : vector<16xf32>
        %get3A_521 = arith.index_cast %scan3A_512 : i32 to index
        %get3A_522 = arith.constant 32 : index
        %get3A_523 = tpu.vector_load %arg6[%get3A_521, %get3A_522] {strides = array<i32>} : memref<100x128xf32, #tpu.memory_space<vmem>>, vector<16xf32>,
        %add3A_524 = arith.addf %add3A_490, %get3A_523 : vector<16xf32>
        %get3A_525 = arith.index_cast %scan3A_512 : i32 to index
        %get3A_526 = arith.constant 48 : index
        %get3A_527 = tpu.vector_load %arg6[%get3A_525, %get3A_526] {strides = array<i32>} : memref<100x128xf32, #tpu.memory_space<vmem>>, vector<16xf32>,
        %add3A_528 = arith.addf %add3A_494, %get3A_527 : vector<16xf32>
        %get3A_529 = arith.index_cast %scan3A_512 : i32 to index
        %get3A_530 = arith.constant 64 : index
        %get3A_531 = tpu.vector_load %arg6[%get3A_529, %get3A_530] {strides = array<i32>} : memref<100x128xf32, #tpu.memory_space<vmem>>, vector<16xf32>,
        %add3A_532 = arith.addf %add3A_498, %get3A_531 : vector<16xf32>
        %get3A_533 = arith.index_cast %scan3A_512 : i32 to index
        %get3A_534 = arith.constant 80 : index
        %get3A_535 = tpu.vector_load %arg6[%get3A_533, %get3A_534] {strides = array<i32>} : memref<100x128xf32, #tpu.memory_space<vmem>>, vector<16xf32>,
        %add3A_536 = arith.addf %add3A_502, %get3A_535 : vector<16xf32>
        %get3A_537 = arith.index_cast %scan3A_512 : i32 to index
        %get3A_538 = arith.constant 96 : index
        %get3A_539 = tpu.vector_load %arg6[%get3A_537, %get3A_538] {strides = array<i32>} : memref<100x128xf32, #tpu.memory_space<vmem>>, vector<16xf32>,
        %add3A_540 = arith.addf %add3A_506, %get3A_539 : vector<16xf32>
        %get3A_541 = arith.index_cast %scan3A_512 : i32 to index
        %get3A_542 = arith.constant 112 : index
        %get3A_543 = tpu.vector_load %arg6[%get3A_541, %get3A_542] {strides = array<i32>} : memref<100x128xf32, #tpu.memory_space<vmem>>, vector<16xf32>,
        %add3A_544 = arith.addf %add3A_510, %get3A_543 : vector<16xf32>
        %scan3A_545 = arith.constant 2 : i32
        %scan3A_546 = arith.addi %scan3A_471, %scan3A_545 : i32
        %get3A_547 = arith.index_cast %scan3A_546 : i32 to index
        %get3A_548 = arith.constant 0 : index
        %get3A_549 = tpu.vector_load %arg6[%get3A_547, %get3A_548] {strides = array<i32>} : memref<100x128xf32, #tpu.memory_space<vmem>>, vector<16xf32>,
        %add3A_550 = arith.addf %add3A_516, %get3A_549 : vector<16xf32>
        %get3A_551 = arith.index_cast %scan3A_546 : i32 to index
        %get3A_552 = arith.constant 16 : index
        %get3A_553 = tpu.vector_load %arg6[%get3A_551, %get3A_552] {strides = array<i32>} : memref<100x128xf32, #tpu.memory_space<vmem>>, vector<16xf32>,
        %add3A_554 = arith.addf %add3A_520, %get3A_553 : vector<16xf32>
        %get3A_555 = arith.index_cast %scan3A_546 : i32 to index
        %get3A_556 = arith.constant 32 : index
        %get3A_557 = tpu.vector_load %arg6[%get3A_555, %get3A_556] {strides = array<i32>} : memref<100x128xf32, #tpu.memory_space<vmem>>, vector<16xf32>,
        %add3A_558 = arith.addf %add3A_524, %get3A_557 : vector<16xf32>
        %get3A_559 = arith.index_cast %scan3A_546 : i32 to index
        %get3A_560 = arith.constant 48 : index
        %get3A_561 = tpu.vector_load %arg6[%get3A_559, %get3A_560] {strides = array<i32>} : memref<100x128xf32, #tpu.memory_space<vmem>>, vector<16xf32>,
        %add3A_562 = arith.addf %add3A_528, %get3A_561 : vector<16xf32>
        %get3A_563 = arith.index_cast %scan3A_546 : i32 to index
        %get3A_564 = arith.constant 64 : index
        %get3A_565 = tpu.vector_load %arg6[%get3A_563, %get3A_564] {strides = array<i32>} : memref<100x128xf32, #tpu.memory_space<vmem>>, vector<16xf32>,
        %add3A_566 = arith.addf %add3A_532, %get3A_565 : vector<16xf32>
        %get3A_567 = arith.index_cast %scan3A_546 : i32 to index
        %get3A_568 = arith.constant 80 : index
        %get3A_569 = tpu.vector_load %arg6[%get3A_567, %get3A_568] {strides = array<i32>} : memref<100x128xf32, #tpu.memory_space<vmem>>, vector<16xf32>,
        %add3A_570 = arith.addf %add3A_536, %get3A_569 : vector<16xf32>
        %get3A_571 = arith.index_cast %scan3A_546 : i32 to index
        %get3A_572 = arith.constant 96 : index
        %get3A_573 = tpu.vector_load %arg6[%get3A_571, %get3A_572] {strides = array<i32>} : memref<100x128xf32, #tpu.memory_space<vmem>>, vector<16xf32>,
        %add3A_574 = arith.addf %add3A_540, %get3A_573 : vector<16xf32>
        %get3A_575 = arith.index_cast %scan3A_546 : i32 to index
        %get3A_576 = arith.constant 112 : index
        %get3A_577 = tpu.vector_load %arg6[%get3A_575, %get3A_576] {strides = array<i32>} : memref<100x128xf32, #tpu.memory_space<vmem>>, vector<16xf32>,
        %add3A_578 = arith.addf %add3A_544, %get3A_577 : vector<16xf32>
        %scan3A_579 = arith.constant 3 : i32
        %scan3A_580 = arith.addi %scan3A_471, %scan3A_579 : i32
        %get3A_581 = arith.index_cast %scan3A_580 : i32 to index
        %get3A_582 = arith.constant 0 : index
        %get3A_583 = tpu.vector_load %arg6[%get3A_581, %get3A_582] {strides = array<i32>} : memref<100x128xf32, #tpu.memory_space<vmem>>, vector<16xf32>,
        %add3A_584 = arith.addf %add3A_550, %get3A_583 : vector<16xf32>
        %get3A_585 = arith.index_cast %scan3A_580 : i32 to index
        %get3A_586 = arith.constant 16 : index
        %get3A_587 = tpu.vector_load %arg6[%get3A_585, %get3A_586] {strides = array<i32>} : memref<100x128xf32, #tpu.memory_space<vmem>>, vector<16xf32>,
        %add3A_588 = arith.addf %add3A_554, %get3A_587 : vector<16xf32>
        %get3A_589 = arith.index_cast %scan3A_580 : i32 to index
        %get3A_590 = arith.constant 32 : index
        %get3A_591 = tpu.vector_load %arg6[%get3A_589, %get3A_590] {strides = array<i32>} : memref<100x128xf32, #tpu.memory_space<vmem>>, vector<16xf32>,
        %add3A_592 = arith.addf %add3A_558, %get3A_591 : vector<16xf32>
        %get3A_593 = arith.index_cast %scan3A_580 : i32 to index
        %get3A_594 = arith.constant 48 : index
        %get3A_595 = tpu.vector_load %arg6[%get3A_593, %get3A_594] {strides = array<i32>} : memref<100x128xf32, #tpu.memory_space<vmem>>, vector<16xf32>,
        %add3A_596 = arith.addf %add3A_562, %get3A_595 : vector<16xf32>
        %get3A_597 = arith.index_cast %scan3A_580 : i32 to index
        %get3A_598 = arith.constant 64 : index
        %get3A_599 = tpu.vector_load %arg6[%get3A_597, %get3A_598] {strides = array<i32>} : memref<100x128xf32, #tpu.memory_space<vmem>>, vector<16xf32>,
        %add3A_600 = arith.addf %add3A_566, %get3A_599 : vector<16xf32>
        %get3A_601 = arith.index_cast %scan3A_580 : i32 to index
        %get3A_602 = arith.constant 80 : index
        %get3A_603 = tpu.vector_load %arg6[%get3A_601, %get3A_602] {strides = array<i32>} : memref<100x128xf32, #tpu.memory_space<vmem>>, vector<16xf32>,
        %add3A_604 = arith.addf %add3A_570, %get3A_603 : vector<16xf32>
        %get3A_605 = arith.index_cast %scan3A_580 : i32 to index
        %get3A_606 = arith.constant 96 : index
        %get3A_607 = tpu.vector_load %arg6[%get3A_605, %get3A_606] {strides = array<i32>} : memref<100x128xf32, #tpu.memory_space<vmem>>, vector<16xf32>,
        %add3A_608 = arith.addf %add3A_574, %get3A_607 : vector<16xf32>
        %get3A_609 = arith.index_cast %scan3A_580 : i32 to index
        %get3A_610 = arith.constant 112 : index
        %get3A_611 = tpu.vector_load %arg6[%get3A_609, %get3A_610] {strides = array<i32>} : memref<100x128xf32, #tpu.memory_space<vmem>>, vector<16xf32>,
        %add3A_612 = arith.addf %add3A_578, %get3A_611 : vector<16xf32>
        scf.yield %add3A_584, %add3A_588, %add3A_592, %add3A_596, %add3A_600, %add3A_604, %add3A_608, %add3A_612 : vector<16xf32>, vector<16xf32>, vector<16xf32>, vector<16xf32>, vector<16xf32>, vector<16xf32>, vector<16xf32>, vector<16xf32>
      }
      %scan3A_75 = arith.constant 100 : i32
      %mul3A_76 = arith.constant 4 : i32
      %mul3A_77 = arith.muli %mul3A_76, %scan3A_44 : i32
      %add3A_78 = arith.constant 0 : i32
      %add3A_79 = arith.addi %mul3A_77, %add3A_78 : i32
      %add3A_80 = arith.constant 4 : i32
      %add3A_81 = arith.addi %add3A_79, %add3A_80 : i32
      %lt3A = arith.constant 256 : i32
      %lt3A_82 = arith.cmpi slt, %add3A_81, %lt3A : i32
      %convert_element_type3A_83 = arith.extui %lt3A_82 : i1 to i32
      %cond3A_84 = arith.constant 0 : i32
      %cond3A_85 = arith.cmpi ne, %convert_element_type3A_83, %cond3A_84 : i32
      scf.if %cond3A_85 {
        %jit3A = arith.constant 2 : i32
        %div3A = arith.divsi %add3A_81, %jit3A : i32
        %sign3A = arith.constant 0 : i32
        %sign3A_471 = arith.cmpi sgt, %add3A_81, %sign3A : i32
        %sign3A_472 = arith.extui %sign3A_471 : i1 to i32
        %sign3A_473 = arith.constant 0 : i32
        %sign3A_474 = arith.cmpi slt, %add3A_81, %sign3A_473 : i32
        %sign3A_475 = arith.extui %sign3A_474 : i1 to i32
        %sign3A_476 = arith.subi %sign3A_472, %sign3A_475 : i32
        %sign3A_477 = arith.constant 0 : i32
        %sign3A_478 = arith.cmpi sgt, %jit3A, %sign3A_477 : i32
        %sign3A_479 = arith.extui %sign3A_478 : i1 to i32
        %sign3A_480 = arith.constant 0 : i32
        %sign3A_481 = arith.cmpi slt, %jit3A, %sign3A_480 : i32
        %sign3A_482 = arith.extui %sign3A_481 : i1 to i32
        %sign3A_483 = arith.subi %sign3A_479, %sign3A_482 : i32
        %ne3A = arith.cmpi ne, %sign3A_476, %sign3A_483 : i32
        %rem3A = arith.remsi %add3A_81, %jit3A : i32
        %ne3A_484 = arith.constant 0 : i32
        %ne3A_485 = arith.cmpi ne, %rem3A, %ne3A_484 : i32
        %and3A = arith.andi %ne3A, %ne3A_485 : i1
        %sub3A_486 = arith.constant 1 : i32
        %sub3A_487 = arith.subi %div3A, %sub3A_486 : i32
        %select_n3A = arith.select %and3A, %sub3A_487, %div3A : i32
        %dma_start3A_488 = arith.constant 0 : i32
        %dma_start3A_489 = arith.constant 0 : i32
        %dma_start3A_490 = tpu.memref_slice %arg5[%select_n3A, %dma_start3A_488, %dma_start3A_489] : memref<128x2x100xi32, #tpu.memory_space<vmem>> -> memref<1x1x100xi32, #tpu.memory_space<vmem>>
        %dma_start3A_491 = tpu.memref_squeeze %dma_start3A_490 : memref<1x1x100xi32, #tpu.memory_space<vmem>> -> memref<100xi32, #tpu.memory_space<vmem>>
        %dma_start3A_492 = arith.constant 0 : i32
        %dma_start3A_493 = arith.constant 0 : i32
        %dma_start3A_494 = tpu.memref_slice %arg2[%dma_start3A_492, %dma_start3A_493] : memref<100000x128xf32, #tpu.memory_space<hbm>> -> memref<100000x128xf32, #tpu.memory_space<hbm>>
        tpu.enqueue_indirect_dma source(%dma_start3A_494 : memref<100000x128xf32, #tpu.memory_space<hbm>>) target(%arg6 : memref<100x128xf32, #tpu.memory_space<vmem>>) offsets(%dma_start3A_491 : memref<100xi32, #tpu.memory_space<vmem>>) semaphore(%arg11 : memref<!tpu.dma_semaphore, #tpu.memory_space<semaphore_mem>>)
      } else {
      }
      %dma_wait3A_86 = arith.constant 0 : i32
      %dma_wait3A_87 = arith.constant 0 : i32
      %dma_wait3A_88 = arith.constant 0 : i32
      %dma_wait3A_89 = tpu.memref_slice %arg5[%dma_wait3A_86, %dma_wait3A_87, %dma_wait3A_88] : memref<128x2x100xi32, #tpu.memory_space<vmem>> -> memref<1x1x100xi32, #tpu.memory_space<vmem>>
      %dma_wait3A_90 = tpu.memref_squeeze %dma_wait3A_89 : memref<1x1x100xi32, #tpu.memory_space<vmem>> -> memref<100xi32, #tpu.memory_space<vmem>>
      %dma_wait3A_91 = arith.constant 0 : i32
      %dma_wait3A_92 = arith.constant 0 : i32
      %dma_wait3A_93 = tpu.memref_slice %arg2[%dma_wait3A_91, %dma_wait3A_92] : memref<100000x128xf32, #tpu.memory_space<hbm>> -> memref<100000x128xf32, #tpu.memory_space<hbm>>
      tpu.wait_indirect_dma semaphore(%arg12 : memref<!tpu.dma_semaphore, #tpu.memory_space<semaphore_mem>>) src(%dma_wait3A_93 : memref<100000x128xf32, #tpu.memory_space<hbm>>) dst(%arg7 : memref<100x128xf32, #tpu.memory_space<vmem>>)
      %scan3A_94 = arith.constant 0 : i32
      %scan3A_95 = arith.constant 100 : i32
      %scan3A_96 = arith.addi %scan3A_94, %scan3A_95 : i32
      %scan3A_97 = arith.constant 4 : i32
      %scan3A_98:8 = scf.for %scan3A_471 = %scan3A_94 to %scan3A_96 step %scan3A_97 iter_args(%scan3A_472 = %scan3A_74#0, %scan3A_473 = %scan3A_74#1, %scan3A_474 = %scan3A_74#2, %scan3A_475 = %scan3A_74#3, %scan3A_476 = %scan3A_74#4, %scan3A_477 = %scan3A_74#5, %scan3A_478 = %scan3A_74#6, %scan3A_479 = %scan3A_74#7) -> (vector<16xf32>, vector<16xf32>, vector<16xf32>, vector<16xf32>, vector<16xf32>, vector<16xf32>, vector<16xf32>, vector<16xf32>)  : i32 {
        %get3A = arith.index_cast %scan3A_471 : i32 to index
        %get3A_480 = arith.constant 0 : index
        %get3A_481 = tpu.vector_load %arg7[%get3A, %get3A_480] {strides = array<i32>} : memref<100x128xf32, #tpu.memory_space<vmem>>, vector<16xf32>,
        %add3A_482 = arith.addf %scan3A_472, %get3A_481 : vector<16xf32>
        %get3A_483 = arith.index_cast %scan3A_471 : i32 to index
        %get3A_484 = arith.constant 16 : index
        %get3A_485 = tpu.vector_load %arg7[%get3A_483, %get3A_484] {strides = array<i32>} : memref<100x128xf32, #tpu.memory_space<vmem>>, vector<16xf32>,
        %add3A_486 = arith.addf %scan3A_473, %get3A_485 : vector<16xf32>
        %get3A_487 = arith.index_cast %scan3A_471 : i32 to index
        %get3A_488 = arith.constant 32 : index
        %get3A_489 = tpu.vector_load %arg7[%get3A_487, %get3A_488] {strides = array<i32>} : memref<100x128xf32, #tpu.memory_space<vmem>>, vector<16xf32>,
        %add3A_490 = arith.addf %scan3A_474, %get3A_489 : vector<16xf32>
        %get3A_491 = arith.index_cast %scan3A_471 : i32 to index
        %get3A_492 = arith.constant 48 : index
        %get3A_493 = tpu.vector_load %arg7[%get3A_491, %get3A_492] {strides = array<i32>} : memref<100x128xf32, #tpu.memory_space<vmem>>, vector<16xf32>,
        %add3A_494 = arith.addf %scan3A_475, %get3A_493 : vector<16xf32>
        %get3A_495 = arith.index_cast %scan3A_471 : i32 to index
        %get3A_496 = arith.constant 64 : index
        %get3A_497 = tpu.vector_load %arg7[%get3A_495, %get3A_496] {strides = array<i32>} : memref<100x128xf32, #tpu.memory_space<vmem>>, vector<16xf32>,
        %add3A_498 = arith.addf %scan3A_476, %get3A_497 : vector<16xf32>
        %get3A_499 = arith.index_cast %scan3A_471 : i32 to index
        %get3A_500 = arith.constant 80 : index
        %get3A_501 = tpu.vector_load %arg7[%get3A_499, %get3A_500] {strides = array<i32>} : memref<100x128xf32, #tpu.memory_space<vmem>>, vector<16xf32>,
        %add3A_502 = arith.addf %scan3A_477, %get3A_501 : vector<16xf32>
        %get3A_503 = arith.index_cast %scan3A_471 : i32 to index
        %get3A_504 = arith.constant 96 : index
        %get3A_505 = tpu.vector_load %arg7[%get3A_503, %get3A_504] {strides = array<i32>} : memref<100x128xf32, #tpu.memory_space<vmem>>, vector<16xf32>,
        %add3A_506 = arith.addf %scan3A_478, %get3A_505 : vector<16xf32>
        %get3A_507 = arith.index_cast %scan3A_471 : i32 to index
        %get3A_508 = arith.constant 112 : index
        %get3A_509 = tpu.vector_load %arg7[%get3A_507, %get3A_508] {strides = array<i32>} : memref<100x128xf32, #tpu.memory_space<vmem>>, vector<16xf32>,
        %add3A_510 = arith.addf %scan3A_479, %get3A_509 : vector<16xf32>
        %scan3A_511 = arith.constant 1 : i32
        %scan3A_512 = arith.addi %scan3A_471, %scan3A_511 : i32
        %get3A_513 = arith.index_cast %scan3A_512 : i32 to index
        %get3A_514 = arith.constant 0 : index
        %get3A_515 = tpu.vector_load %arg7[%get3A_513, %get3A_514] {strides = array<i32>} : memref<100x128xf32, #tpu.memory_space<vmem>>, vector<16xf32>,
        %add3A_516 = arith.addf %add3A_482, %get3A_515 : vector<16xf32>
        %get3A_517 = arith.index_cast %scan3A_512 : i32 to index
        %get3A_518 = arith.constant 16 : index
        %get3A_519 = tpu.vector_load %arg7[%get3A_517, %get3A_518] {strides = array<i32>} : memref<100x128xf32, #tpu.memory_space<vmem>>, vector<16xf32>,
        %add3A_520 = arith.addf %add3A_486, %get3A_519 : vector<16xf32>
        %get3A_521 = arith.index_cast %scan3A_512 : i32 to index
        %get3A_522 = arith.constant 32 : index
        %get3A_523 = tpu.vector_load %arg7[%get3A_521, %get3A_522] {strides = array<i32>} : memref<100x128xf32, #tpu.memory_space<vmem>>, vector<16xf32>,
        %add3A_524 = arith.addf %add3A_490, %get3A_523 : vector<16xf32>
        %get3A_525 = arith.index_cast %scan3A_512 : i32 to index
        %get3A_526 = arith.constant 48 : index
        %get3A_527 = tpu.vector_load %arg7[%get3A_525, %get3A_526] {strides = array<i32>} : memref<100x128xf32, #tpu.memory_space<vmem>>, vector<16xf32>,
        %add3A_528 = arith.addf %add3A_494, %get3A_527 : vector<16xf32>
        %get3A_529 = arith.index_cast %scan3A_512 : i32 to index
        %get3A_530 = arith.constant 64 : index
        %get3A_531 = tpu.vector_load %arg7[%get3A_529, %get3A_530] {strides = array<i32>} : memref<100x128xf32, #tpu.memory_space<vmem>>, vector<16xf32>,
        %add3A_532 = arith.addf %add3A_498, %get3A_531 : vector<16xf32>
        %get3A_533 = arith.index_cast %scan3A_512 : i32 to index
        %get3A_534 = arith.constant 80 : index
        %get3A_535 = tpu.vector_load %arg7[%get3A_533, %get3A_534] {strides = array<i32>} : memref<100x128xf32, #tpu.memory_space<vmem>>, vector<16xf32>,
        %add3A_536 = arith.addf %add3A_502, %get3A_535 : vector<16xf32>
        %get3A_537 = arith.index_cast %scan3A_512 : i32 to index
        %get3A_538 = arith.constant 96 : index
        %get3A_539 = tpu.vector_load %arg7[%get3A_537, %get3A_538] {strides = array<i32>} : memref<100x128xf32, #tpu.memory_space<vmem>>, vector<16xf32>,
        %add3A_540 = arith.addf %add3A_506, %get3A_539 : vector<16xf32>
        %get3A_541 = arith.index_cast %scan3A_512 : i32 to index
        %get3A_542 = arith.constant 112 : index
        %get3A_543 = tpu.vector_load %arg7[%get3A_541, %get3A_542] {strides = array<i32>} : memref<100x128xf32, #tpu.memory_space<vmem>>, vector<16xf32>,
        %add3A_544 = arith.addf %add3A_510, %get3A_543 : vector<16xf32>
        %scan3A_545 = arith.constant 2 : i32
        %scan3A_546 = arith.addi %scan3A_471, %scan3A_545 : i32
        %get3A_547 = arith.index_cast %scan3A_546 : i32 to index
        %get3A_548 = arith.constant 0 : index
        %get3A_549 = tpu.vector_load %arg7[%get3A_547, %get3A_548] {strides = array<i32>} : memref<100x128xf32, #tpu.memory_space<vmem>>, vector<16xf32>,
        %add3A_550 = arith.addf %add3A_516, %get3A_549 : vector<16xf32>
        %get3A_551 = arith.index_cast %scan3A_546 : i32 to index
        %get3A_552 = arith.constant 16 : index
        %get3A_553 = tpu.vector_load %arg7[%get3A_551, %get3A_552] {strides = array<i32>} : memref<100x128xf32, #tpu.memory_space<vmem>>, vector<16xf32>,
        %add3A_554 = arith.addf %add3A_520, %get3A_553 : vector<16xf32>
        %get3A_555 = arith.index_cast %scan3A_546 : i32 to index
        %get3A_556 = arith.constant 32 : index
        %get3A_557 = tpu.vector_load %arg7[%get3A_555, %get3A_556] {strides = array<i32>} : memref<100x128xf32, #tpu.memory_space<vmem>>, vector<16xf32>,
        %add3A_558 = arith.addf %add3A_524, %get3A_557 : vector<16xf32>
        %get3A_559 = arith.index_cast %scan3A_546 : i32 to index
        %get3A_560 = arith.constant 48 : index
        %get3A_561 = tpu.vector_load %arg7[%get3A_559, %get3A_560] {strides = array<i32>} : memref<100x128xf32, #tpu.memory_space<vmem>>, vector<16xf32>,
        %add3A_562 = arith.addf %add3A_528, %get3A_561 : vector<16xf32>
        %get3A_563 = arith.index_cast %scan3A_546 : i32 to index
        %get3A_564 = arith.constant 64 : index
        %get3A_565 = tpu.vector_load %arg7[%get3A_563, %get3A_564] {strides = array<i32>} : memref<100x128xf32, #tpu.memory_space<vmem>>, vector<16xf32>,
        %add3A_566 = arith.addf %add3A_532, %get3A_565 : vector<16xf32>
        %get3A_567 = arith.index_cast %scan3A_546 : i32 to index
        %get3A_568 = arith.constant 80 : index
        %get3A_569 = tpu.vector_load %arg7[%get3A_567, %get3A_568] {strides = array<i32>} : memref<100x128xf32, #tpu.memory_space<vmem>>, vector<16xf32>,
        %add3A_570 = arith.addf %add3A_536, %get3A_569 : vector<16xf32>
        %get3A_571 = arith.index_cast %scan3A_546 : i32 to index
        %get3A_572 = arith.constant 96 : index
        %get3A_573 = tpu.vector_load %arg7[%get3A_571, %get3A_572] {strides = array<i32>} : memref<100x128xf32, #tpu.memory_space<vmem>>, vector<16xf32>,
        %add3A_574 = arith.addf %add3A_540, %get3A_573 : vector<16xf32>
        %get3A_575 = arith.index_cast %scan3A_546 : i32 to index
        %get3A_576 = arith.constant 112 : index
        %get3A_577 = tpu.vector_load %arg7[%get3A_575, %get3A_576] {strides = array<i32>} : memref<100x128xf32, #tpu.memory_space<vmem>>, vector<16xf32>,
        %add3A_578 = arith.addf %add3A_544, %get3A_577 : vector<16xf32>
        %scan3A_579 = arith.constant 3 : i32
        %scan3A_580 = arith.addi %scan3A_471, %scan3A_579 : i32
        %get3A_581 = arith.index_cast %scan3A_580 : i32 to index
        %get3A_582 = arith.constant 0 : index
        %get3A_583 = tpu.vector_load %arg7[%get3A_581, %get3A_582] {strides = array<i32>} : memref<100x128xf32, #tpu.memory_space<vmem>>, vector<16xf32>,
        %add3A_584 = arith.addf %add3A_550, %get3A_583 : vector<16xf32>
        %get3A_585 = arith.index_cast %scan3A_580 : i32 to index
        %get3A_586 = arith.constant 16 : index
        %get3A_587 = tpu.vector_load %arg7[%get3A_585, %get3A_586] {strides = array<i32>} : memref<100x128xf32, #tpu.memory_space<vmem>>, vector<16xf32>,
        %add3A_588 = arith.addf %add3A_554, %get3A_587 : vector<16xf32>
        %get3A_589 = arith.index_cast %scan3A_580 : i32 to index
        %get3A_590 = arith.constant 32 : index
        %get3A_591 = tpu.vector_load %arg7[%get3A_589, %get3A_590] {strides = array<i32>} : memref<100x128xf32, #tpu.memory_space<vmem>>, vector<16xf32>,
        %add3A_592 = arith.addf %add3A_558, %get3A_591 : vector<16xf32>
        %get3A_593 = arith.index_cast %scan3A_580 : i32 to index
        %get3A_594 = arith.constant 48 : index
        %get3A_595 = tpu.vector_load %arg7[%get3A_593, %get3A_594] {strides = array<i32>} : memref<100x128xf32, #tpu.memory_space<vmem>>, vector<16xf32>,
        %add3A_596 = arith.addf %add3A_562, %get3A_595 : vector<16xf32>
        %get3A_597 = arith.index_cast %scan3A_580 : i32 to index
        %get3A_598 = arith.constant 64 : index
        %get3A_599 = tpu.vector_load %arg7[%get3A_597, %get3A_598] {strides = array<i32>} : memref<100x128xf32, #tpu.memory_space<vmem>>, vector<16xf32>,
        %add3A_600 = arith.addf %add3A_566, %get3A_599 : vector<16xf32>
        %get3A_601 = arith.index_cast %scan3A_580 : i32 to index
        %get3A_602 = arith.constant 80 : index
        %get3A_603 = tpu.vector_load %arg7[%get3A_601, %get3A_602] {strides = array<i32>} : memref<100x128xf32, #tpu.memory_space<vmem>>, vector<16xf32>,
        %add3A_604 = arith.addf %add3A_570, %get3A_603 : vector<16xf32>
        %get3A_605 = arith.index_cast %scan3A_580 : i32 to index
        %get3A_606 = arith.constant 96 : index
        %get3A_607 = tpu.vector_load %arg7[%get3A_605, %get3A_606] {strides = array<i32>} : memref<100x128xf32, #tpu.memory_space<vmem>>, vector<16xf32>,
        %add3A_608 = arith.addf %add3A_574, %get3A_607 : vector<16xf32>
        %get3A_609 = arith.index_cast %scan3A_580 : i32 to index
        %get3A_610 = arith.constant 112 : index
        %get3A_611 = tpu.vector_load %arg7[%get3A_609, %get3A_610] {strides = array<i32>} : memref<100x128xf32, #tpu.memory_space<vmem>>, vector<16xf32>,
        %add3A_612 = arith.addf %add3A_578, %get3A_611 : vector<16xf32>
        scf.yield %add3A_584, %add3A_588, %add3A_592, %add3A_596, %add3A_600, %add3A_604, %add3A_608, %add3A_612 : vector<16xf32>, vector<16xf32>, vector<16xf32>, vector<16xf32>, vector<16xf32>, vector<16xf32>, vector<16xf32>, vector<16xf32>
      }
      %scan3A_99 = arith.constant 100 : i32
      %mul3A_100 = arith.constant 4 : i32
      %mul3A_101 = arith.muli %mul3A_100, %scan3A_44 : i32
      %add3A_102 = arith.constant 1 : i32
      %add3A_103 = arith.addi %mul3A_101, %add3A_102 : i32
      %add3A_104 = arith.constant 4 : i32
      %add3A_105 = arith.addi %add3A_103, %add3A_104 : i32
      %lt3A_106 = arith.constant 256 : i32
      %lt3A_107 = arith.cmpi slt, %add3A_105, %lt3A_106 : i32
      %convert_element_type3A_108 = arith.extui %lt3A_107 : i1 to i32
      %cond3A_109 = arith.constant 0 : i32
      %cond3A_110 = arith.cmpi ne, %convert_element_type3A_108, %cond3A_109 : i32
      scf.if %cond3A_110 {
        %jit3A = arith.constant 2 : i32
        %div3A = arith.divsi %add3A_105, %jit3A : i32
        %sign3A = arith.constant 0 : i32
        %sign3A_471 = arith.cmpi sgt, %add3A_105, %sign3A : i32
        %sign3A_472 = arith.extui %sign3A_471 : i1 to i32
        %sign3A_473 = arith.constant 0 : i32
        %sign3A_474 = arith.cmpi slt, %add3A_105, %sign3A_473 : i32
        %sign3A_475 = arith.extui %sign3A_474 : i1 to i32
        %sign3A_476 = arith.subi %sign3A_472, %sign3A_475 : i32
        %sign3A_477 = arith.constant 0 : i32
        %sign3A_478 = arith.cmpi sgt, %jit3A, %sign3A_477 : i32
        %sign3A_479 = arith.extui %sign3A_478 : i1 to i32
        %sign3A_480 = arith.constant 0 : i32
        %sign3A_481 = arith.cmpi slt, %jit3A, %sign3A_480 : i32
        %sign3A_482 = arith.extui %sign3A_481 : i1 to i32
        %sign3A_483 = arith.subi %sign3A_479, %sign3A_482 : i32
        %ne3A = arith.cmpi ne, %sign3A_476, %sign3A_483 : i32
        %rem3A = arith.remsi %add3A_105, %jit3A : i32
        %ne3A_484 = arith.constant 0 : i32
        %ne3A_485 = arith.cmpi ne, %rem3A, %ne3A_484 : i32
        %and3A = arith.andi %ne3A, %ne3A_485 : i1
        %sub3A_486 = arith.constant 1 : i32
        %sub3A_487 = arith.subi %div3A, %sub3A_486 : i32
        %select_n3A = arith.select %and3A, %sub3A_487, %div3A : i32
        %dma_start3A_488 = arith.constant 1 : i32
        %dma_start3A_489 = arith.constant 0 : i32
        %dma_start3A_490 = tpu.memref_slice %arg5[%select_n3A, %dma_start3A_488, %dma_start3A_489] : memref<128x2x100xi32, #tpu.memory_space<vmem>> -> memref<1x1x100xi32, #tpu.memory_space<vmem>>
        %dma_start3A_491 = tpu.memref_squeeze %dma_start3A_490 : memref<1x1x100xi32, #tpu.memory_space<vmem>> -> memref<100xi32, #tpu.memory_space<vmem>>
        %dma_start3A_492 = arith.constant 0 : i32
        %dma_start3A_493 = arith.constant 0 : i32
        %dma_start3A_494 = tpu.memref_slice %arg2[%dma_start3A_492, %dma_start3A_493] : memref<100000x128xf32, #tpu.memory_space<hbm>> -> memref<100000x128xf32, #tpu.memory_space<hbm>>
        tpu.enqueue_indirect_dma source(%dma_start3A_494 : memref<100000x128xf32, #tpu.memory_space<hbm>>) target(%arg7 : memref<100x128xf32, #tpu.memory_space<vmem>>) offsets(%dma_start3A_491 : memref<100xi32, #tpu.memory_space<vmem>>) semaphore(%arg12 : memref<!tpu.dma_semaphore, #tpu.memory_space<semaphore_mem>>)
      } else {
      }
      %mul3A_111 = arith.mulf %scan3A_98#0, %scan3A_98#0 : vector<16xf32>
      %mul3A_112 = arith.mulf %scan3A_98#1, %scan3A_98#1 : vector<16xf32>
      %add3A_113 = arith.addf %mul3A_111, %mul3A_112 : vector<16xf32>
      %mul3A_114 = arith.mulf %scan3A_98#2, %scan3A_98#2 : vector<16xf32>
      %add3A_115 = arith.addf %add3A_113, %mul3A_114 : vector<16xf32>
      %mul3A_116 = arith.mulf %scan3A_98#3, %scan3A_98#3 : vector<16xf32>
      %add3A_117 = arith.addf %add3A_115, %mul3A_116 : vector<16xf32>
      %mul3A_118 = arith.mulf %scan3A_98#4, %scan3A_98#4 : vector<16xf32>
      %add3A_119 = arith.addf %add3A_117, %mul3A_118 : vector<16xf32>
      %mul3A_120 = arith.mulf %scan3A_98#5, %scan3A_98#5 : vector<16xf32>
      %add3A_121 = arith.addf %add3A_119, %mul3A_120 : vector<16xf32>
      %mul3A_122 = arith.mulf %scan3A_98#6, %scan3A_98#6 : vector<16xf32>
      %add3A_123 = arith.addf %add3A_121, %mul3A_122 : vector<16xf32>
      %mul3A_124 = arith.mulf %scan3A_98#7, %scan3A_98#7 : vector<16xf32>
      %add3A_125 = arith.addf %add3A_123, %mul3A_124 : vector<16xf32>
      %slice3A = vector.extract_strided_slice %add3A_125 {offsets = [0], sizes = [1], strides = [1]} : vector<16xf32> to vector<1xf32>
      %squeeze3A = vector.extract %slice3A[0] : f32 from vector<1xf32>
      %slice3A_126 = vector.extract_strided_slice %add3A_125 {offsets = [1], sizes = [1], strides = [1]} : vector<16xf32> to vector<1xf32>
      %squeeze3A_127 = vector.extract %slice3A_126[0] : f32 from vector<1xf32>
      %add3A_128 = arith.addf %squeeze3A, %squeeze3A_127 : f32
      %slice3A_129 = vector.extract_strided_slice %add3A_125 {offsets = [2], sizes = [1], strides = [1]} : vector<16xf32> to vector<1xf32>
      %squeeze3A_130 = vector.extract %slice3A_129[0] : f32 from vector<1xf32>
      %add3A_131 = arith.addf %add3A_128, %squeeze3A_130 : f32
      %slice3A_132 = vector.extract_strided_slice %add3A_125 {offsets = [3], sizes = [1], strides = [1]} : vector<16xf32> to vector<1xf32>
      %squeeze3A_133 = vector.extract %slice3A_132[0] : f32 from vector<1xf32>
      %add3A_134 = arith.addf %add3A_131, %squeeze3A_133 : f32
      %slice3A_135 = vector.extract_strided_slice %add3A_125 {offsets = [4], sizes = [1], strides = [1]} : vector<16xf32> to vector<1xf32>
      %squeeze3A_136 = vector.extract %slice3A_135[0] : f32 from vector<1xf32>
      %add3A_137 = arith.addf %add3A_134, %squeeze3A_136 : f32
      %slice3A_138 = vector.extract_strided_slice %add3A_125 {offsets = [5], sizes = [1], strides = [1]} : vector<16xf32> to vector<1xf32>
      %squeeze3A_139 = vector.extract %slice3A_138[0] : f32 from vector<1xf32>
      %add3A_140 = arith.addf %add3A_137, %squeeze3A_139 : f32
      %slice3A_141 = vector.extract_strided_slice %add3A_125 {offsets = [6], sizes = [1], strides = [1]} : vector<16xf32> to vector<1xf32>
      %squeeze3A_142 = vector.extract %slice3A_141[0] : f32 from vector<1xf32>
      %add3A_143 = arith.addf %add3A_140, %squeeze3A_142 : f32
      %slice3A_144 = vector.extract_strided_slice %add3A_125 {offsets = [7], sizes = [1], strides = [1]} : vector<16xf32> to vector<1xf32>
      %squeeze3A_145 = vector.extract %slice3A_144[0] : f32 from vector<1xf32>
      %add3A_146 = arith.addf %add3A_143, %squeeze3A_145 : f32
      %slice3A_147 = vector.extract_strided_slice %add3A_125 {offsets = [8], sizes = [1], strides = [1]} : vector<16xf32> to vector<1xf32>
      %squeeze3A_148 = vector.extract %slice3A_147[0] : f32 from vector<1xf32>
      %add3A_149 = arith.addf %add3A_146, %squeeze3A_148 : f32
      %slice3A_150 = vector.extract_strided_slice %add3A_125 {offsets = [9], sizes = [1], strides = [1]} : vector<16xf32> to vector<1xf32>
      %squeeze3A_151 = vector.extract %slice3A_150[0] : f32 from vector<1xf32>
      %add3A_152 = arith.addf %add3A_149, %squeeze3A_151 : f32
      %slice3A_153 = vector.extract_strided_slice %add3A_125 {offsets = [10], sizes = [1], strides = [1]} : vector<16xf32> to vector<1xf32>
      %squeeze3A_154 = vector.extract %slice3A_153[0] : f32 from vector<1xf32>
      %add3A_155 = arith.addf %add3A_152, %squeeze3A_154 : f32
      %slice3A_156 = vector.extract_strided_slice %add3A_125 {offsets = [11], sizes = [1], strides = [1]} : vector<16xf32> to vector<1xf32>
      %squeeze3A_157 = vector.extract %slice3A_156[0] : f32 from vector<1xf32>
      %add3A_158 = arith.addf %add3A_155, %squeeze3A_157 : f32
      %slice3A_159 = vector.extract_strided_slice %add3A_125 {offsets = [12], sizes = [1], strides = [1]} : vector<16xf32> to vector<1xf32>
      %squeeze3A_160 = vector.extract %slice3A_159[0] : f32 from vector<1xf32>
      %add3A_161 = arith.addf %add3A_158, %squeeze3A_160 : f32
      %slice3A_162 = vector.extract_strided_slice %add3A_125 {offsets = [13], sizes = [1], strides = [1]} : vector<16xf32> to vector<1xf32>
      %squeeze3A_163 = vector.extract %slice3A_162[0] : f32 from vector<1xf32>
      %add3A_164 = arith.addf %add3A_161, %squeeze3A_163 : f32
      %slice3A_165 = vector.extract_strided_slice %add3A_125 {offsets = [14], sizes = [1], strides = [1]} : vector<16xf32> to vector<1xf32>
      %squeeze3A_166 = vector.extract %slice3A_165[0] : f32 from vector<1xf32>
      %add3A_167 = arith.addf %add3A_164, %squeeze3A_166 : f32
      %slice3A_168 = vector.extract_strided_slice %add3A_125 {offsets = [15], sizes = [1], strides = [1]} : vector<16xf32> to vector<1xf32>
      %squeeze3A_169 = vector.extract %slice3A_168[0] : f32 from vector<1xf32>
      %add3A_170 = arith.addf %add3A_167, %squeeze3A_169 : f32
      %mul3A_171 = arith.constant 2.500000e-05 : f32
      %mul3A_172 = arith.mulf %add3A_170, %mul3A_171 : f32
      %broadcast_in_dim3A_173 = vector.broadcast %mul3A_172 : f32 to vector<16xf32>
      %max3A = arith.constant 9.99999996E-13 : f32
      %max3A_174 = vector.broadcast %max3A : f32 to vector<16xf32>
      %max3A_175 = arith.maximumf %broadcast_in_dim3A_173, %max3A_174 : vector<16xf32>
      %bitcast3A = vector.bitcast %max3A_175 : vector<16xf32> to vector<16xi32>
      %shift_right_arithmetic3A = arith.constant 1 : i32
      %shift_right_arithmetic3A_176 = vector.broadcast %shift_right_arithmetic3A : i32 to vector<16xi32>
      %shift_right_arithmetic3A_177 = arith.shrsi %bitcast3A, %shift_right_arithmetic3A_176 : vector<16xi32>
      %sub3A = arith.constant 1597463007 : i32
      %sub3A_178 = vector.broadcast %sub3A : i32 to vector<16xi32>
      %sub3A_179 = arith.subi %sub3A_178, %shift_right_arithmetic3A_177 : vector<16xi32>
      %bitcast3A_180 = vector.bitcast %sub3A_179 : vector<16xi32> to vector<16xf32>
      %mul3A_181 = arith.constant 5.000000e-01 : f32
      %mul3A_182 = vector.broadcast %mul3A_181 : f32 to vector<16xf32>
      %mul3A_183 = arith.mulf %mul3A_182, %max3A_175 : vector<16xf32>
      %mul3A_184 = arith.mulf %mul3A_183, %bitcast3A_180 : vector<16xf32>
      %mul3A_185 = arith.mulf %mul3A_184, %bitcast3A_180 : vector<16xf32>
      %sub3A_186 = arith.constant 1.500000e+00 : f32
      %sub3A_187 = vector.broadcast %sub3A_186 : f32 to vector<16xf32>
      %sub3A_188 = arith.subf %sub3A_187, %mul3A_185 : vector<16xf32>
      %mul3A_189 = arith.mulf %bitcast3A_180, %sub3A_188 : vector<16xf32>
      %mul3A_190 = arith.constant 5.000000e-01 : f32
      %mul3A_191 = vector.broadcast %mul3A_190 : f32 to vector<16xf32>
      %mul3A_192 = arith.mulf %mul3A_191, %max3A_175 : vector<16xf32>
      %mul3A_193 = arith.mulf %mul3A_192, %mul3A_189 : vector<16xf32>
      %mul3A_194 = arith.mulf %mul3A_193, %mul3A_189 : vector<16xf32>
      %sub3A_195 = arith.constant 1.500000e+00 : f32
      %sub3A_196 = vector.broadcast %sub3A_195 : f32 to vector<16xf32>
      %sub3A_197 = arith.subf %sub3A_196, %mul3A_194 : vector<16xf32>
      %mul3A_198 = arith.mulf %mul3A_189, %sub3A_197 : vector<16xf32>
      %mul3A_199 = arith.constant 5.000000e-01 : f32
      %mul3A_200 = vector.broadcast %mul3A_199 : f32 to vector<16xf32>
      %mul3A_201 = arith.mulf %mul3A_200, %max3A_175 : vector<16xf32>
      %mul3A_202 = arith.mulf %mul3A_201, %mul3A_198 : vector<16xf32>
      %mul3A_203 = arith.mulf %mul3A_202, %mul3A_198 : vector<16xf32>
      %sub3A_204 = arith.constant 1.500000e+00 : f32
      %sub3A_205 = vector.broadcast %sub3A_204 : f32 to vector<16xf32>
      %sub3A_206 = arith.subf %sub3A_205, %mul3A_203 : vector<16xf32>
      %mul3A_207 = arith.mulf %mul3A_198, %sub3A_206 : vector<16xf32>
      %mul3A_208 = arith.constant 5.000000e-03 : f32
      %mul3A_209 = vector.broadcast %mul3A_208 : f32 to vector<16xf32>
      %mul3A_210 = arith.mulf %mul3A_207, %mul3A_209 : vector<16xf32>
      %mul3A_211 = arith.mulf %scan3A_98#0, %mul3A_210 : vector<16xf32>
      %swap3A = arith.constant 0 : i32
      %swap3A_212 = arith.index_cast %swap3A : i32 to index
      %swap3A_213 = arith.constant 0 : index
      %swap3A_214 = tpu.vector_load %arg10[%swap3A_212, %swap3A_213] {strides = array<i32>} : memref<2x128xf32, #tpu.memory_space<vmem>>, vector<16xf32>,
      tpu.vector_store %arg10[%swap3A_212, %swap3A_213], %mul3A_211 {strides = array<i32>} : memref<2x128xf32, #tpu.memory_space<vmem>>, vector<16xf32>,
      %mul3A_215 = arith.mulf %scan3A_98#1, %mul3A_210 : vector<16xf32>
      %swap3A_216 = arith.constant 0 : i32
      %swap3A_217 = arith.index_cast %swap3A_216 : i32 to index
      %swap3A_218 = arith.constant 16 : index
      %swap3A_219 = tpu.vector_load %arg10[%swap3A_217, %swap3A_218] {strides = array<i32>} : memref<2x128xf32, #tpu.memory_space<vmem>>, vector<16xf32>,
      tpu.vector_store %arg10[%swap3A_217, %swap3A_218], %mul3A_215 {strides = array<i32>} : memref<2x128xf32, #tpu.memory_space<vmem>>, vector<16xf32>,
      %mul3A_220 = arith.mulf %scan3A_98#2, %mul3A_210 : vector<16xf32>
      %swap3A_221 = arith.constant 0 : i32
      %swap3A_222 = arith.index_cast %swap3A_221 : i32 to index
      %swap3A_223 = arith.constant 32 : index
      %swap3A_224 = tpu.vector_load %arg10[%swap3A_222, %swap3A_223] {strides = array<i32>} : memref<2x128xf32, #tpu.memory_space<vmem>>, vector<16xf32>,
      tpu.vector_store %arg10[%swap3A_222, %swap3A_223], %mul3A_220 {strides = array<i32>} : memref<2x128xf32, #tpu.memory_space<vmem>>, vector<16xf32>,
      %mul3A_225 = arith.mulf %scan3A_98#3, %mul3A_210 : vector<16xf32>
      %swap3A_226 = arith.constant 0 : i32
      %swap3A_227 = arith.index_cast %swap3A_226 : i32 to index
      %swap3A_228 = arith.constant 48 : index
      %swap3A_229 = tpu.vector_load %arg10[%swap3A_227, %swap3A_228] {strides = array<i32>} : memref<2x128xf32, #tpu.memory_space<vmem>>, vector<16xf32>,
      tpu.vector_store %arg10[%swap3A_227, %swap3A_228], %mul3A_225 {strides = array<i32>} : memref<2x128xf32, #tpu.memory_space<vmem>>, vector<16xf32>,
      %mul3A_230 = arith.mulf %scan3A_98#4, %mul3A_210 : vector<16xf32>
      %swap3A_231 = arith.constant 0 : i32
      %swap3A_232 = arith.index_cast %swap3A_231 : i32 to index
      %swap3A_233 = arith.constant 64 : index
      %swap3A_234 = tpu.vector_load %arg10[%swap3A_232, %swap3A_233] {strides = array<i32>} : memref<2x128xf32, #tpu.memory_space<vmem>>, vector<16xf32>,
      tpu.vector_store %arg10[%swap3A_232, %swap3A_233], %mul3A_230 {strides = array<i32>} : memref<2x128xf32, #tpu.memory_space<vmem>>, vector<16xf32>,
      %mul3A_235 = arith.mulf %scan3A_98#5, %mul3A_210 : vector<16xf32>
      %swap3A_236 = arith.constant 0 : i32
      %swap3A_237 = arith.index_cast %swap3A_236 : i32 to index
      %swap3A_238 = arith.constant 80 : index
      %swap3A_239 = tpu.vector_load %arg10[%swap3A_237, %swap3A_238] {strides = array<i32>} : memref<2x128xf32, #tpu.memory_space<vmem>>, vector<16xf32>,
      tpu.vector_store %arg10[%swap3A_237, %swap3A_238], %mul3A_235 {strides = array<i32>} : memref<2x128xf32, #tpu.memory_space<vmem>>, vector<16xf32>,
      %mul3A_240 = arith.mulf %scan3A_98#6, %mul3A_210 : vector<16xf32>
      %swap3A_241 = arith.constant 0 : i32
      %swap3A_242 = arith.index_cast %swap3A_241 : i32 to index
      %swap3A_243 = arith.constant 96 : index
      %swap3A_244 = tpu.vector_load %arg10[%swap3A_242, %swap3A_243] {strides = array<i32>} : memref<2x128xf32, #tpu.memory_space<vmem>>, vector<16xf32>,
      tpu.vector_store %arg10[%swap3A_242, %swap3A_243], %mul3A_240 {strides = array<i32>} : memref<2x128xf32, #tpu.memory_space<vmem>>, vector<16xf32>,
      %mul3A_245 = arith.mulf %scan3A_98#7, %mul3A_210 : vector<16xf32>
      %swap3A_246 = arith.constant 0 : i32
      %swap3A_247 = arith.index_cast %swap3A_246 : i32 to index
      %swap3A_248 = arith.constant 112 : index
      %swap3A_249 = tpu.vector_load %arg10[%swap3A_247, %swap3A_248] {strides = array<i32>} : memref<2x128xf32, #tpu.memory_space<vmem>>, vector<16xf32>,
      tpu.vector_store %arg10[%swap3A_247, %swap3A_248], %mul3A_245 {strides = array<i32>} : memref<2x128xf32, #tpu.memory_space<vmem>>, vector<16xf32>,
      %broadcast_in_dim3A_250 = arith.constant 0.000000e+00 : f32
      %broadcast_in_dim3A_251 = vector.broadcast %broadcast_in_dim3A_250 : f32 to vector<16xf32>
      %broadcast_in_dim3A_252 = arith.constant 0.000000e+00 : f32
      %broadcast_in_dim3A_253 = vector.broadcast %broadcast_in_dim3A_252 : f32 to vector<16xf32>
      %broadcast_in_dim3A_254 = arith.constant 0.000000e+00 : f32
      %broadcast_in_dim3A_255 = vector.broadcast %broadcast_in_dim3A_254 : f32 to vector<16xf32>
      %broadcast_in_dim3A_256 = arith.constant 0.000000e+00 : f32
      %broadcast_in_dim3A_257 = vector.broadcast %broadcast_in_dim3A_256 : f32 to vector<16xf32>
      %broadcast_in_dim3A_258 = arith.constant 0.000000e+00 : f32
      %broadcast_in_dim3A_259 = vector.broadcast %broadcast_in_dim3A_258 : f32 to vector<16xf32>
      %broadcast_in_dim3A_260 = arith.constant 0.000000e+00 : f32
      %broadcast_in_dim3A_261 = vector.broadcast %broadcast_in_dim3A_260 : f32 to vector<16xf32>
      %broadcast_in_dim3A_262 = arith.constant 0.000000e+00 : f32
      %broadcast_in_dim3A_263 = vector.broadcast %broadcast_in_dim3A_262 : f32 to vector<16xf32>
      %broadcast_in_dim3A_264 = arith.constant 0.000000e+00 : f32
      %broadcast_in_dim3A_265 = vector.broadcast %broadcast_in_dim3A_264 : f32 to vector<16xf32>
      %dma_wait3A_266 = arith.constant 0 : i32
      %dma_wait3A_267 = arith.constant 0 : i32
      %dma_wait3A_268 = arith.constant 0 : i32
      %dma_wait3A_269 = tpu.memref_slice %arg5[%dma_wait3A_266, %dma_wait3A_267, %dma_wait3A_268] : memref<128x2x100xi32, #tpu.memory_space<vmem>> -> memref<1x1x100xi32, #tpu.memory_space<vmem>>
      %dma_wait3A_270 = tpu.memref_squeeze %dma_wait3A_269 : memref<1x1x100xi32, #tpu.memory_space<vmem>> -> memref<100xi32, #tpu.memory_space<vmem>>
      %dma_wait3A_271 = arith.constant 0 : i32
      %dma_wait3A_272 = arith.constant 0 : i32
      %dma_wait3A_273 = tpu.memref_slice %arg2[%dma_wait3A_271, %dma_wait3A_272] : memref<100000x128xf32, #tpu.memory_space<hbm>> -> memref<100000x128xf32, #tpu.memory_space<hbm>>
      tpu.wait_indirect_dma semaphore(%arg13 : memref<!tpu.dma_semaphore, #tpu.memory_space<semaphore_mem>>) src(%dma_wait3A_273 : memref<100000x128xf32, #tpu.memory_space<hbm>>) dst(%arg8 : memref<100x128xf32, #tpu.memory_space<vmem>>)
      %scan3A_274 = arith.constant 0 : i32
      %scan3A_275 = arith.constant 100 : i32
      %scan3A_276 = arith.addi %scan3A_274, %scan3A_275 : i32
      %scan3A_277 = arith.constant 4 : i32
      %scan3A_278:8 = scf.for %scan3A_471 = %scan3A_274 to %scan3A_276 step %scan3A_277 iter_args(%scan3A_472 = %broadcast_in_dim3A_251, %scan3A_473 = %broadcast_in_dim3A_253, %scan3A_474 = %broadcast_in_dim3A_255, %scan3A_475 = %broadcast_in_dim3A_257, %scan3A_476 = %broadcast_in_dim3A_259, %scan3A_477 = %broadcast_in_dim3A_261, %scan3A_478 = %broadcast_in_dim3A_263, %scan3A_479 = %broadcast_in_dim3A_265) -> (vector<16xf32>, vector<16xf32>, vector<16xf32>, vector<16xf32>, vector<16xf32>, vector<16xf32>, vector<16xf32>, vector<16xf32>)  : i32 {
        %get3A = arith.index_cast %scan3A_471 : i32 to index
        %get3A_480 = arith.constant 0 : index
        %get3A_481 = tpu.vector_load %arg8[%get3A, %get3A_480] {strides = array<i32>} : memref<100x128xf32, #tpu.memory_space<vmem>>, vector<16xf32>,
        %add3A_482 = arith.addf %scan3A_472, %get3A_481 : vector<16xf32>
        %get3A_483 = arith.index_cast %scan3A_471 : i32 to index
        %get3A_484 = arith.constant 16 : index
        %get3A_485 = tpu.vector_load %arg8[%get3A_483, %get3A_484] {strides = array<i32>} : memref<100x128xf32, #tpu.memory_space<vmem>>, vector<16xf32>,
        %add3A_486 = arith.addf %scan3A_473, %get3A_485 : vector<16xf32>
        %get3A_487 = arith.index_cast %scan3A_471 : i32 to index
        %get3A_488 = arith.constant 32 : index
        %get3A_489 = tpu.vector_load %arg8[%get3A_487, %get3A_488] {strides = array<i32>} : memref<100x128xf32, #tpu.memory_space<vmem>>, vector<16xf32>,
        %add3A_490 = arith.addf %scan3A_474, %get3A_489 : vector<16xf32>
        %get3A_491 = arith.index_cast %scan3A_471 : i32 to index
        %get3A_492 = arith.constant 48 : index
        %get3A_493 = tpu.vector_load %arg8[%get3A_491, %get3A_492] {strides = array<i32>} : memref<100x128xf32, #tpu.memory_space<vmem>>, vector<16xf32>,
        %add3A_494 = arith.addf %scan3A_475, %get3A_493 : vector<16xf32>
        %get3A_495 = arith.index_cast %scan3A_471 : i32 to index
        %get3A_496 = arith.constant 64 : index
        %get3A_497 = tpu.vector_load %arg8[%get3A_495, %get3A_496] {strides = array<i32>} : memref<100x128xf32, #tpu.memory_space<vmem>>, vector<16xf32>,
        %add3A_498 = arith.addf %scan3A_476, %get3A_497 : vector<16xf32>
        %get3A_499 = arith.index_cast %scan3A_471 : i32 to index
        %get3A_500 = arith.constant 80 : index
        %get3A_501 = tpu.vector_load %arg8[%get3A_499, %get3A_500] {strides = array<i32>} : memref<100x128xf32, #tpu.memory_space<vmem>>, vector<16xf32>,
        %add3A_502 = arith.addf %scan3A_477, %get3A_501 : vector<16xf32>
        %get3A_503 = arith.index_cast %scan3A_471 : i32 to index
        %get3A_504 = arith.constant 96 : index
        %get3A_505 = tpu.vector_load %arg8[%get3A_503, %get3A_504] {strides = array<i32>} : memref<100x128xf32, #tpu.memory_space<vmem>>, vector<16xf32>,
        %add3A_506 = arith.addf %scan3A_478, %get3A_505 : vector<16xf32>
        %get3A_507 = arith.index_cast %scan3A_471 : i32 to index
        %get3A_508 = arith.constant 112 : index
        %get3A_509 = tpu.vector_load %arg8[%get3A_507, %get3A_508] {strides = array<i32>} : memref<100x128xf32, #tpu.memory_space<vmem>>, vector<16xf32>,
        %add3A_510 = arith.addf %scan3A_479, %get3A_509 : vector<16xf32>
        %scan3A_511 = arith.constant 1 : i32
        %scan3A_512 = arith.addi %scan3A_471, %scan3A_511 : i32
        %get3A_513 = arith.index_cast %scan3A_512 : i32 to index
        %get3A_514 = arith.constant 0 : index
        %get3A_515 = tpu.vector_load %arg8[%get3A_513, %get3A_514] {strides = array<i32>} : memref<100x128xf32, #tpu.memory_space<vmem>>, vector<16xf32>,
        %add3A_516 = arith.addf %add3A_482, %get3A_515 : vector<16xf32>
        %get3A_517 = arith.index_cast %scan3A_512 : i32 to index
        %get3A_518 = arith.constant 16 : index
        %get3A_519 = tpu.vector_load %arg8[%get3A_517, %get3A_518] {strides = array<i32>} : memref<100x128xf32, #tpu.memory_space<vmem>>, vector<16xf32>,
        %add3A_520 = arith.addf %add3A_486, %get3A_519 : vector<16xf32>
        %get3A_521 = arith.index_cast %scan3A_512 : i32 to index
        %get3A_522 = arith.constant 32 : index
        %get3A_523 = tpu.vector_load %arg8[%get3A_521, %get3A_522] {strides = array<i32>} : memref<100x128xf32, #tpu.memory_space<vmem>>, vector<16xf32>,
        %add3A_524 = arith.addf %add3A_490, %get3A_523 : vector<16xf32>
        %get3A_525 = arith.index_cast %scan3A_512 : i32 to index
        %get3A_526 = arith.constant 48 : index
        %get3A_527 = tpu.vector_load %arg8[%get3A_525, %get3A_526] {strides = array<i32>} : memref<100x128xf32, #tpu.memory_space<vmem>>, vector<16xf32>,
        %add3A_528 = arith.addf %add3A_494, %get3A_527 : vector<16xf32>
        %get3A_529 = arith.index_cast %scan3A_512 : i32 to index
        %get3A_530 = arith.constant 64 : index
        %get3A_531 = tpu.vector_load %arg8[%get3A_529, %get3A_530] {strides = array<i32>} : memref<100x128xf32, #tpu.memory_space<vmem>>, vector<16xf32>,
        %add3A_532 = arith.addf %add3A_498, %get3A_531 : vector<16xf32>
        %get3A_533 = arith.index_cast %scan3A_512 : i32 to index
        %get3A_534 = arith.constant 80 : index
        %get3A_535 = tpu.vector_load %arg8[%get3A_533, %get3A_534] {strides = array<i32>} : memref<100x128xf32, #tpu.memory_space<vmem>>, vector<16xf32>,
        %add3A_536 = arith.addf %add3A_502, %get3A_535 : vector<16xf32>
        %get3A_537 = arith.index_cast %scan3A_512 : i32 to index
        %get3A_538 = arith.constant 96 : index
        %get3A_539 = tpu.vector_load %arg8[%get3A_537, %get3A_538] {strides = array<i32>} : memref<100x128xf32, #tpu.memory_space<vmem>>, vector<16xf32>,
        %add3A_540 = arith.addf %add3A_506, %get3A_539 : vector<16xf32>
        %get3A_541 = arith.index_cast %scan3A_512 : i32 to index
        %get3A_542 = arith.constant 112 : index
        %get3A_543 = tpu.vector_load %arg8[%get3A_541, %get3A_542] {strides = array<i32>} : memref<100x128xf32, #tpu.memory_space<vmem>>, vector<16xf32>,
        %add3A_544 = arith.addf %add3A_510, %get3A_543 : vector<16xf32>
        %scan3A_545 = arith.constant 2 : i32
        %scan3A_546 = arith.addi %scan3A_471, %scan3A_545 : i32
        %get3A_547 = arith.index_cast %scan3A_546 : i32 to index
        %get3A_548 = arith.constant 0 : index
        %get3A_549 = tpu.vector_load %arg8[%get3A_547, %get3A_548] {strides = array<i32>} : memref<100x128xf32, #tpu.memory_space<vmem>>, vector<16xf32>,
        %add3A_550 = arith.addf %add3A_516, %get3A_549 : vector<16xf32>
        %get3A_551 = arith.index_cast %scan3A_546 : i32 to index
        %get3A_552 = arith.constant 16 : index
        %get3A_553 = tpu.vector_load %arg8[%get3A_551, %get3A_552] {strides = array<i32>} : memref<100x128xf32, #tpu.memory_space<vmem>>, vector<16xf32>,
        %add3A_554 = arith.addf %add3A_520, %get3A_553 : vector<16xf32>
        %get3A_555 = arith.index_cast %scan3A_546 : i32 to index
        %get3A_556 = arith.constant 32 : index
        %get3A_557 = tpu.vector_load %arg8[%get3A_555, %get3A_556] {strides = array<i32>} : memref<100x128xf32, #tpu.memory_space<vmem>>, vector<16xf32>,
        %add3A_558 = arith.addf %add3A_524, %get3A_557 : vector<16xf32>
        %get3A_559 = arith.index_cast %scan3A_546 : i32 to index
        %get3A_560 = arith.constant 48 : index
        %get3A_561 = tpu.vector_load %arg8[%get3A_559, %get3A_560] {strides = array<i32>} : memref<100x128xf32, #tpu.memory_space<vmem>>, vector<16xf32>,
        %add3A_562 = arith.addf %add3A_528, %get3A_561 : vector<16xf32>
        %get3A_563 = arith.index_cast %scan3A_546 : i32 to index
        %get3A_564 = arith.constant 64 : index
        %get3A_565 = tpu.vector_load %arg8[%get3A_563, %get3A_564] {strides = array<i32>} : memref<100x128xf32, #tpu.memory_space<vmem>>, vector<16xf32>,
        %add3A_566 = arith.addf %add3A_532, %get3A_565 : vector<16xf32>
        %get3A_567 = arith.index_cast %scan3A_546 : i32 to index
        %get3A_568 = arith.constant 80 : index
        %get3A_569 = tpu.vector_load %arg8[%get3A_567, %get3A_568] {strides = array<i32>} : memref<100x128xf32, #tpu.memory_space<vmem>>, vector<16xf32>,
        %add3A_570 = arith.addf %add3A_536, %get3A_569 : vector<16xf32>
        %get3A_571 = arith.index_cast %scan3A_546 : i32 to index
        %get3A_572 = arith.constant 96 : index
        %get3A_573 = tpu.vector_load %arg8[%get3A_571, %get3A_572] {strides = array<i32>} : memref<100x128xf32, #tpu.memory_space<vmem>>, vector<16xf32>,
        %add3A_574 = arith.addf %add3A_540, %get3A_573 : vector<16xf32>
        %get3A_575 = arith.index_cast %scan3A_546 : i32 to index
        %get3A_576 = arith.constant 112 : index
        %get3A_577 = tpu.vector_load %arg8[%get3A_575, %get3A_576] {strides = array<i32>} : memref<100x128xf32, #tpu.memory_space<vmem>>, vector<16xf32>,
        %add3A_578 = arith.addf %add3A_544, %get3A_577 : vector<16xf32>
        %scan3A_579 = arith.constant 3 : i32
        %scan3A_580 = arith.addi %scan3A_471, %scan3A_579 : i32
        %get3A_581 = arith.index_cast %scan3A_580 : i32 to index
        %get3A_582 = arith.constant 0 : index
        %get3A_583 = tpu.vector_load %arg8[%get3A_581, %get3A_582] {strides = array<i32>} : memref<100x128xf32, #tpu.memory_space<vmem>>, vector<16xf32>,
        %add3A_584 = arith.addf %add3A_550, %get3A_583 : vector<16xf32>
        %get3A_585 = arith.index_cast %scan3A_580 : i32 to index
        %get3A_586 = arith.constant 16 : index
        %get3A_587 = tpu.vector_load %arg8[%get3A_585, %get3A_586] {strides = array<i32>} : memref<100x128xf32, #tpu.memory_space<vmem>>, vector<16xf32>,
        %add3A_588 = arith.addf %add3A_554, %get3A_587 : vector<16xf32>
        %get3A_589 = arith.index_cast %scan3A_580 : i32 to index
        %get3A_590 = arith.constant 32 : index
        %get3A_591 = tpu.vector_load %arg8[%get3A_589, %get3A_590] {strides = array<i32>} : memref<100x128xf32, #tpu.memory_space<vmem>>, vector<16xf32>,
        %add3A_592 = arith.addf %add3A_558, %get3A_591 : vector<16xf32>
        %get3A_593 = arith.index_cast %scan3A_580 : i32 to index
        %get3A_594 = arith.constant 48 : index
        %get3A_595 = tpu.vector_load %arg8[%get3A_593, %get3A_594] {strides = array<i32>} : memref<100x128xf32, #tpu.memory_space<vmem>>, vector<16xf32>,
        %add3A_596 = arith.addf %add3A_562, %get3A_595 : vector<16xf32>
        %get3A_597 = arith.index_cast %scan3A_580 : i32 to index
        %get3A_598 = arith.constant 64 : index
        %get3A_599 = tpu.vector_load %arg8[%get3A_597, %get3A_598] {strides = array<i32>} : memref<100x128xf32, #tpu.memory_space<vmem>>, vector<16xf32>,
        %add3A_600 = arith.addf %add3A_566, %get3A_599 : vector<16xf32>
        %get3A_601 = arith.index_cast %scan3A_580 : i32 to index
        %get3A_602 = arith.constant 80 : index
        %get3A_603 = tpu.vector_load %arg8[%get3A_601, %get3A_602] {strides = array<i32>} : memref<100x128xf32, #tpu.memory_space<vmem>>, vector<16xf32>,
        %add3A_604 = arith.addf %add3A_570, %get3A_603 : vector<16xf32>
        %get3A_605 = arith.index_cast %scan3A_580 : i32 to index
        %get3A_606 = arith.constant 96 : index
        %get3A_607 = tpu.vector_load %arg8[%get3A_605, %get3A_606] {strides = array<i32>} : memref<100x128xf32, #tpu.memory_space<vmem>>, vector<16xf32>,
        %add3A_608 = arith.addf %add3A_574, %get3A_607 : vector<16xf32>
        %get3A_609 = arith.index_cast %scan3A_580 : i32 to index
        %get3A_610 = arith.constant 112 : index
        %get3A_611 = tpu.vector_load %arg8[%get3A_609, %get3A_610] {strides = array<i32>} : memref<100x128xf32, #tpu.memory_space<vmem>>, vector<16xf32>,
        %add3A_612 = arith.addf %add3A_578, %get3A_611 : vector<16xf32>
        scf.yield %add3A_584, %add3A_588, %add3A_592, %add3A_596, %add3A_600, %add3A_604, %add3A_608, %add3A_612 : vector<16xf32>, vector<16xf32>, vector<16xf32>, vector<16xf32>, vector<16xf32>, vector<16xf32>, vector<16xf32>, vector<16xf32>
      }
      %scan3A_279 = arith.constant 100 : i32
      %mul3A_280 = arith.constant 4 : i32
      %mul3A_281 = arith.muli %mul3A_280, %scan3A_44 : i32
      %add3A_282 = arith.constant 2 : i32
      %add3A_283 = arith.addi %mul3A_281, %add3A_282 : i32
      %add3A_284 = arith.constant 4 : i32
      %add3A_285 = arith.addi %add3A_283, %add3A_284 : i32
      %lt3A_286 = arith.constant 256 : i32
      %lt3A_287 = arith.cmpi slt, %add3A_285, %lt3A_286 : i32
      %convert_element_type3A_288 = arith.extui %lt3A_287 : i1 to i32
      %cond3A_289 = arith.constant 0 : i32
      %cond3A_290 = arith.cmpi ne, %convert_element_type3A_288, %cond3A_289 : i32
      scf.if %cond3A_290 {
        %jit3A = arith.constant 2 : i32
        %div3A = arith.divsi %add3A_285, %jit3A : i32
        %sign3A = arith.constant 0 : i32
        %sign3A_471 = arith.cmpi sgt, %add3A_285, %sign3A : i32
        %sign3A_472 = arith.extui %sign3A_471 : i1 to i32
        %sign3A_473 = arith.constant 0 : i32
        %sign3A_474 = arith.cmpi slt, %add3A_285, %sign3A_473 : i32
        %sign3A_475 = arith.extui %sign3A_474 : i1 to i32
        %sign3A_476 = arith.subi %sign3A_472, %sign3A_475 : i32
        %sign3A_477 = arith.constant 0 : i32
        %sign3A_478 = arith.cmpi sgt, %jit3A, %sign3A_477 : i32
        %sign3A_479 = arith.extui %sign3A_478 : i1 to i32
        %sign3A_480 = arith.constant 0 : i32
        %sign3A_481 = arith.cmpi slt, %jit3A, %sign3A_480 : i32
        %sign3A_482 = arith.extui %sign3A_481 : i1 to i32
        %sign3A_483 = arith.subi %sign3A_479, %sign3A_482 : i32
        %ne3A = arith.cmpi ne, %sign3A_476, %sign3A_483 : i32
        %rem3A = arith.remsi %add3A_285, %jit3A : i32
        %ne3A_484 = arith.constant 0 : i32
        %ne3A_485 = arith.cmpi ne, %rem3A, %ne3A_484 : i32
        %and3A = arith.andi %ne3A, %ne3A_485 : i1
        %sub3A_486 = arith.constant 1 : i32
        %sub3A_487 = arith.subi %div3A, %sub3A_486 : i32
        %select_n3A = arith.select %and3A, %sub3A_487, %div3A : i32
        %dma_start3A_488 = arith.constant 0 : i32
        %dma_start3A_489 = arith.constant 0 : i32
        %dma_start3A_490 = tpu.memref_slice %arg5[%select_n3A, %dma_start3A_488, %dma_start3A_489] : memref<128x2x100xi32, #tpu.memory_space<vmem>> -> memref<1x1x100xi32, #tpu.memory_space<vmem>>
        %dma_start3A_491 = tpu.memref_squeeze %dma_start3A_490 : memref<1x1x100xi32, #tpu.memory_space<vmem>> -> memref<100xi32, #tpu.memory_space<vmem>>
        %dma_start3A_492 = arith.constant 0 : i32
        %dma_start3A_493 = arith.constant 0 : i32
        %dma_start3A_494 = tpu.memref_slice %arg2[%dma_start3A_492, %dma_start3A_493] : memref<100000x128xf32, #tpu.memory_space<hbm>> -> memref<100000x128xf32, #tpu.memory_space<hbm>>
        tpu.enqueue_indirect_dma source(%dma_start3A_494 : memref<100000x128xf32, #tpu.memory_space<hbm>>) target(%arg8 : memref<100x128xf32, #tpu.memory_space<vmem>>) offsets(%dma_start3A_491 : memref<100xi32, #tpu.memory_space<vmem>>) semaphore(%arg13 : memref<!tpu.dma_semaphore, #tpu.memory_space<semaphore_mem>>)
      } else {
      }
      %dma_wait3A_291 = arith.constant 0 : i32
      %dma_wait3A_292 = arith.constant 0 : i32
      %dma_wait3A_293 = arith.constant 0 : i32
      %dma_wait3A_294 = tpu.memref_slice %arg5[%dma_wait3A_291, %dma_wait3A_292, %dma_wait3A_293] : memref<128x2x100xi32, #tpu.memory_space<vmem>> -> memref<1x1x100xi32, #tpu.memory_space<vmem>>
      %dma_wait3A_295 = tpu.memref_squeeze %dma_wait3A_294 : memref<1x1x100xi32, #tpu.memory_space<vmem>> -> memref<100xi32, #tpu.memory_space<vmem>>
      %dma_wait3A_296 = arith.constant 0 : i32
      %dma_wait3A_297 = arith.constant 0 : i32
      %dma_wait3A_298 = tpu.memref_slice %arg2[%dma_wait3A_296, %dma_wait3A_297] : memref<100000x128xf32, #tpu.memory_space<hbm>> -> memref<100000x128xf32, #tpu.memory_space<hbm>>
      tpu.wait_indirect_dma semaphore(%arg14 : memref<!tpu.dma_semaphore, #tpu.memory_space<semaphore_mem>>) src(%dma_wait3A_298 : memref<100000x128xf32, #tpu.memory_space<hbm>>) dst(%arg9 : memref<100x128xf32, #tpu.memory_space<vmem>>)
      %scan3A_299 = arith.constant 0 : i32
      %scan3A_300 = arith.constant 100 : i32
      %scan3A_301 = arith.addi %scan3A_299, %scan3A_300 : i32
      %scan3A_302 = arith.constant 4 : i32
      %scan3A_303:8 = scf.for %scan3A_471 = %scan3A_299 to %scan3A_301 step %scan3A_302 iter_args(%scan3A_472 = %scan3A_278#0, %scan3A_473 = %scan3A_278#1, %scan3A_474 = %scan3A_278#2, %scan3A_475 = %scan3A_278#3, %scan3A_476 = %scan3A_278#4, %scan3A_477 = %scan3A_278#5, %scan3A_478 = %scan3A_278#6, %scan3A_479 = %scan3A_278#7) -> (vector<16xf32>, vector<16xf32>, vector<16xf32>, vector<16xf32>, vector<16xf32>, vector<16xf32>, vector<16xf32>, vector<16xf32>)  : i32 {
        %get3A = arith.index_cast %scan3A_471 : i32 to index
        %get3A_480 = arith.constant 0 : index
        %get3A_481 = tpu.vector_load %arg9[%get3A, %get3A_480] {strides = array<i32>} : memref<100x128xf32, #tpu.memory_space<vmem>>, vector<16xf32>,
        %add3A_482 = arith.addf %scan3A_472, %get3A_481 : vector<16xf32>
        %get3A_483 = arith.index_cast %scan3A_471 : i32 to index
        %get3A_484 = arith.constant 16 : index
        %get3A_485 = tpu.vector_load %arg9[%get3A_483, %get3A_484] {strides = array<i32>} : memref<100x128xf32, #tpu.memory_space<vmem>>, vector<16xf32>,
        %add3A_486 = arith.addf %scan3A_473, %get3A_485 : vector<16xf32>
        %get3A_487 = arith.index_cast %scan3A_471 : i32 to index
        %get3A_488 = arith.constant 32 : index
        %get3A_489 = tpu.vector_load %arg9[%get3A_487, %get3A_488] {strides = array<i32>} : memref<100x128xf32, #tpu.memory_space<vmem>>, vector<16xf32>,
        %add3A_490 = arith.addf %scan3A_474, %get3A_489 : vector<16xf32>
        %get3A_491 = arith.index_cast %scan3A_471 : i32 to index
        %get3A_492 = arith.constant 48 : index
        %get3A_493 = tpu.vector_load %arg9[%get3A_491, %get3A_492] {strides = array<i32>} : memref<100x128xf32, #tpu.memory_space<vmem>>, vector<16xf32>,
        %add3A_494 = arith.addf %scan3A_475, %get3A_493 : vector<16xf32>
        %get3A_495 = arith.index_cast %scan3A_471 : i32 to index
        %get3A_496 = arith.constant 64 : index
        %get3A_497 = tpu.vector_load %arg9[%get3A_495, %get3A_496] {strides = array<i32>} : memref<100x128xf32, #tpu.memory_space<vmem>>, vector<16xf32>,
        %add3A_498 = arith.addf %scan3A_476, %get3A_497 : vector<16xf32>
        %get3A_499 = arith.index_cast %scan3A_471 : i32 to index
        %get3A_500 = arith.constant 80 : index
        %get3A_501 = tpu.vector_load %arg9[%get3A_499, %get3A_500] {strides = array<i32>} : memref<100x128xf32, #tpu.memory_space<vmem>>, vector<16xf32>,
        %add3A_502 = arith.addf %scan3A_477, %get3A_501 : vector<16xf32>
        %get3A_503 = arith.index_cast %scan3A_471 : i32 to index
        %get3A_504 = arith.constant 96 : index
        %get3A_505 = tpu.vector_load %arg9[%get3A_503, %get3A_504] {strides = array<i32>} : memref<100x128xf32, #tpu.memory_space<vmem>>, vector<16xf32>,
        %add3A_506 = arith.addf %scan3A_478, %get3A_505 : vector<16xf32>
        %get3A_507 = arith.index_cast %scan3A_471 : i32 to index
        %get3A_508 = arith.constant 112 : index
        %get3A_509 = tpu.vector_load %arg9[%get3A_507, %get3A_508] {strides = array<i32>} : memref<100x128xf32, #tpu.memory_space<vmem>>, vector<16xf32>,
        %add3A_510 = arith.addf %scan3A_479, %get3A_509 : vector<16xf32>
        %scan3A_511 = arith.constant 1 : i32
        %scan3A_512 = arith.addi %scan3A_471, %scan3A_511 : i32
        %get3A_513 = arith.index_cast %scan3A_512 : i32 to index
        %get3A_514 = arith.constant 0 : index
        %get3A_515 = tpu.vector_load %arg9[%get3A_513, %get3A_514] {strides = array<i32>} : memref<100x128xf32, #tpu.memory_space<vmem>>, vector<16xf32>,
        %add3A_516 = arith.addf %add3A_482, %get3A_515 : vector<16xf32>
        %get3A_517 = arith.index_cast %scan3A_512 : i32 to index
        %get3A_518 = arith.constant 16 : index
        %get3A_519 = tpu.vector_load %arg9[%get3A_517, %get3A_518] {strides = array<i32>} : memref<100x128xf32, #tpu.memory_space<vmem>>, vector<16xf32>,
        %add3A_520 = arith.addf %add3A_486, %get3A_519 : vector<16xf32>
        %get3A_521 = arith.index_cast %scan3A_512 : i32 to index
        %get3A_522 = arith.constant 32 : index
        %get3A_523 = tpu.vector_load %arg9[%get3A_521, %get3A_522] {strides = array<i32>} : memref<100x128xf32, #tpu.memory_space<vmem>>, vector<16xf32>,
        %add3A_524 = arith.addf %add3A_490, %get3A_523 : vector<16xf32>
        %get3A_525 = arith.index_cast %scan3A_512 : i32 to index
        %get3A_526 = arith.constant 48 : index
        %get3A_527 = tpu.vector_load %arg9[%get3A_525, %get3A_526] {strides = array<i32>} : memref<100x128xf32, #tpu.memory_space<vmem>>, vector<16xf32>,
        %add3A_528 = arith.addf %add3A_494, %get3A_527 : vector<16xf32>
        %get3A_529 = arith.index_cast %scan3A_512 : i32 to index
        %get3A_530 = arith.constant 64 : index
        %get3A_531 = tpu.vector_load %arg9[%get3A_529, %get3A_530] {strides = array<i32>} : memref<100x128xf32, #tpu.memory_space<vmem>>, vector<16xf32>,
        %add3A_532 = arith.addf %add3A_498, %get3A_531 : vector<16xf32>
        %get3A_533 = arith.index_cast %scan3A_512 : i32 to index
        %get3A_534 = arith.constant 80 : index
        %get3A_535 = tpu.vector_load %arg9[%get3A_533, %get3A_534] {strides = array<i32>} : memref<100x128xf32, #tpu.memory_space<vmem>>, vector<16xf32>,
        %add3A_536 = arith.addf %add3A_502, %get3A_535 : vector<16xf32>
        %get3A_537 = arith.index_cast %scan3A_512 : i32 to index
        %get3A_538 = arith.constant 96 : index
        %get3A_539 = tpu.vector_load %arg9[%get3A_537, %get3A_538] {strides = array<i32>} : memref<100x128xf32, #tpu.memory_space<vmem>>, vector<16xf32>,
        %add3A_540 = arith.addf %add3A_506, %get3A_539 : vector<16xf32>
        %get3A_541 = arith.index_cast %scan3A_512 : i32 to index
        %get3A_542 = arith.constant 112 : index
        %get3A_543 = tpu.vector_load %arg9[%get3A_541, %get3A_542] {strides = array<i32>} : memref<100x128xf32, #tpu.memory_space<vmem>>, vector<16xf32>,
        %add3A_544 = arith.addf %add3A_510, %get3A_543 : vector<16xf32>
        %scan3A_545 = arith.constant 2 : i32
        %scan3A_546 = arith.addi %scan3A_471, %scan3A_545 : i32
        %get3A_547 = arith.index_cast %scan3A_546 : i32 to index
        %get3A_548 = arith.constant 0 : index
        %get3A_549 = tpu.vector_load %arg9[%get3A_547, %get3A_548] {strides = array<i32>} : memref<100x128xf32, #tpu.memory_space<vmem>>, vector<16xf32>,
        %add3A_550 = arith.addf %add3A_516, %get3A_549 : vector<16xf32>
        %get3A_551 = arith.index_cast %scan3A_546 : i32 to index
        %get3A_552 = arith.constant 16 : index
        %get3A_553 = tpu.vector_load %arg9[%get3A_551, %get3A_552] {strides = array<i32>} : memref<100x128xf32, #tpu.memory_space<vmem>>, vector<16xf32>,
        %add3A_554 = arith.addf %add3A_520, %get3A_553 : vector<16xf32>
        %get3A_555 = arith.index_cast %scan3A_546 : i32 to index
        %get3A_556 = arith.constant 32 : index
        %get3A_557 = tpu.vector_load %arg9[%get3A_555, %get3A_556] {strides = array<i32>} : memref<100x128xf32, #tpu.memory_space<vmem>>, vector<16xf32>,
        %add3A_558 = arith.addf %add3A_524, %get3A_557 : vector<16xf32>
        %get3A_559 = arith.index_cast %scan3A_546 : i32 to index
        %get3A_560 = arith.constant 48 : index
        %get3A_561 = tpu.vector_load %arg9[%get3A_559, %get3A_560] {strides = array<i32>} : memref<100x128xf32, #tpu.memory_space<vmem>>, vector<16xf32>,
        %add3A_562 = arith.addf %add3A_528, %get3A_561 : vector<16xf32>
        %get3A_563 = arith.index_cast %scan3A_546 : i32 to index
        %get3A_564 = arith.constant 64 : index
        %get3A_565 = tpu.vector_load %arg9[%get3A_563, %get3A_564] {strides = array<i32>} : memref<100x128xf32, #tpu.memory_space<vmem>>, vector<16xf32>,
        %add3A_566 = arith.addf %add3A_532, %get3A_565 : vector<16xf32>
        %get3A_567 = arith.index_cast %scan3A_546 : i32 to index
        %get3A_568 = arith.constant 80 : index
        %get3A_569 = tpu.vector_load %arg9[%get3A_567, %get3A_568] {strides = array<i32>} : memref<100x128xf32, #tpu.memory_space<vmem>>, vector<16xf32>,
        %add3A_570 = arith.addf %add3A_536, %get3A_569 : vector<16xf32>
        %get3A_571 = arith.index_cast %scan3A_546 : i32 to index
        %get3A_572 = arith.constant 96 : index
        %get3A_573 = tpu.vector_load %arg9[%get3A_571, %get3A_572] {strides = array<i32>} : memref<100x128xf32, #tpu.memory_space<vmem>>, vector<16xf32>,
        %add3A_574 = arith.addf %add3A_540, %get3A_573 : vector<16xf32>
        %get3A_575 = arith.index_cast %scan3A_546 : i32 to index
        %get3A_576 = arith.constant 112 : index
        %get3A_577 = tpu.vector_load %arg9[%get3A_575, %get3A_576] {strides = array<i32>} : memref<100x128xf32, #tpu.memory_space<vmem>>, vector<16xf32>,
        %add3A_578 = arith.addf %add3A_544, %get3A_577 : vector<16xf32>
        %scan3A_579 = arith.constant 3 : i32
        %scan3A_580 = arith.addi %scan3A_471, %scan3A_579 : i32
        %get3A_581 = arith.index_cast %scan3A_580 : i32 to index
        %get3A_582 = arith.constant 0 : index
        %get3A_583 = tpu.vector_load %arg9[%get3A_581, %get3A_582] {strides = array<i32>} : memref<100x128xf32, #tpu.memory_space<vmem>>, vector<16xf32>,
        %add3A_584 = arith.addf %add3A_550, %get3A_583 : vector<16xf32>
        %get3A_585 = arith.index_cast %scan3A_580 : i32 to index
        %get3A_586 = arith.constant 16 : index
        %get3A_587 = tpu.vector_load %arg9[%get3A_585, %get3A_586] {strides = array<i32>} : memref<100x128xf32, #tpu.memory_space<vmem>>, vector<16xf32>,
        %add3A_588 = arith.addf %add3A_554, %get3A_587 : vector<16xf32>
        %get3A_589 = arith.index_cast %scan3A_580 : i32 to index
        %get3A_590 = arith.constant 32 : index
        %get3A_591 = tpu.vector_load %arg9[%get3A_589, %get3A_590] {strides = array<i32>} : memref<100x128xf32, #tpu.memory_space<vmem>>, vector<16xf32>,
        %add3A_592 = arith.addf %add3A_558, %get3A_591 : vector<16xf32>
        %get3A_593 = arith.index_cast %scan3A_580 : i32 to index
        %get3A_594 = arith.constant 48 : index
        %get3A_595 = tpu.vector_load %arg9[%get3A_593, %get3A_594] {strides = array<i32>} : memref<100x128xf32, #tpu.memory_space<vmem>>, vector<16xf32>,
        %add3A_596 = arith.addf %add3A_562, %get3A_595 : vector<16xf32>
        %get3A_597 = arith.index_cast %scan3A_580 : i32 to index
        %get3A_598 = arith.constant 64 : index
        %get3A_599 = tpu.vector_load %arg9[%get3A_597, %get3A_598] {strides = array<i32>} : memref<100x128xf32, #tpu.memory_space<vmem>>, vector<16xf32>,
        %add3A_600 = arith.addf %add3A_566, %get3A_599 : vector<16xf32>
        %get3A_601 = arith.index_cast %scan3A_580 : i32 to index
        %get3A_602 = arith.constant 80 : index
        %get3A_603 = tpu.vector_load %arg9[%get3A_601, %get3A_602] {strides = array<i32>} : memref<100x128xf32, #tpu.memory_space<vmem>>, vector<16xf32>,
        %add3A_604 = arith.addf %add3A_570, %get3A_603 : vector<16xf32>
        %get3A_605 = arith.index_cast %scan3A_580 : i32 to index
        %get3A_606 = arith.constant 96 : index
        %get3A_607 = tpu.vector_load %arg9[%get3A_605, %get3A_606] {strides = array<i32>} : memref<100x128xf32, #tpu.memory_space<vmem>>, vector<16xf32>,
        %add3A_608 = arith.addf %add3A_574, %get3A_607 : vector<16xf32>
        %get3A_609 = arith.index_cast %scan3A_580 : i32 to index
        %get3A_610 = arith.constant 112 : index
        %get3A_611 = tpu.vector_load %arg9[%get3A_609, %get3A_610] {strides = array<i32>} : memref<100x128xf32, #tpu.memory_space<vmem>>, vector<16xf32>,
        %add3A_612 = arith.addf %add3A_578, %get3A_611 : vector<16xf32>
        scf.yield %add3A_584, %add3A_588, %add3A_592, %add3A_596, %add3A_600, %add3A_604, %add3A_608, %add3A_612 : vector<16xf32>, vector<16xf32>, vector<16xf32>, vector<16xf32>, vector<16xf32>, vector<16xf32>, vector<16xf32>, vector<16xf32>
      }
      %scan3A_304 = arith.constant 100 : i32
      %mul3A_305 = arith.constant 4 : i32
      %mul3A_306 = arith.muli %mul3A_305, %scan3A_44 : i32
      %add3A_307 = arith.constant 3 : i32
      %add3A_308 = arith.addi %mul3A_306, %add3A_307 : i32
      %add3A_309 = arith.constant 4 : i32
      %add3A_310 = arith.addi %add3A_308, %add3A_309 : i32
      %lt3A_311 = arith.constant 256 : i32
      %lt3A_312 = arith.cmpi slt, %add3A_310, %lt3A_311 : i32
      %convert_element_type3A_313 = arith.extui %lt3A_312 : i1 to i32
      %cond3A_314 = arith.constant 0 : i32
      %cond3A_315 = arith.cmpi ne, %convert_element_type3A_313, %cond3A_314 : i32
      scf.if %cond3A_315 {
        %jit3A = arith.constant 2 : i32
        %div3A = arith.divsi %add3A_310, %jit3A : i32
        %sign3A = arith.constant 0 : i32
        %sign3A_471 = arith.cmpi sgt, %add3A_310, %sign3A : i32
        %sign3A_472 = arith.extui %sign3A_471 : i1 to i32
        %sign3A_473 = arith.constant 0 : i32
        %sign3A_474 = arith.cmpi slt, %add3A_310, %sign3A_473 : i32
        %sign3A_475 = arith.extui %sign3A_474 : i1 to i32
        %sign3A_476 = arith.subi %sign3A_472, %sign3A_475 : i32
        %sign3A_477 = arith.constant 0 : i32
        %sign3A_478 = arith.cmpi sgt, %jit3A, %sign3A_477 : i32
        %sign3A_479 = arith.extui %sign3A_478 : i1 to i32
        %sign3A_480 = arith.constant 0 : i32
        %sign3A_481 = arith.cmpi slt, %jit3A, %sign3A_480 : i32
        %sign3A_482 = arith.extui %sign3A_481 : i1 to i32
        %sign3A_483 = arith.subi %sign3A_479, %sign3A_482 : i32
        %ne3A = arith.cmpi ne, %sign3A_476, %sign3A_483 : i32
        %rem3A = arith.remsi %add3A_310, %jit3A : i32
        %ne3A_484 = arith.constant 0 : i32
        %ne3A_485 = arith.cmpi ne, %rem3A, %ne3A_484 : i32
        %and3A = arith.andi %ne3A, %ne3A_485 : i1
        %sub3A_486 = arith.constant 1 : i32
        %sub3A_487 = arith.subi %div3A, %sub3A_486 : i32
        %select_n3A = arith.select %and3A, %sub3A_487, %div3A : i32
        %dma_start3A_488 = arith.constant 1 : i32
        %dma_start3A_489 = arith.constant 0 : i32
        %dma_start3A_490 = tpu.memref_slice %arg5[%select_n3A, %dma_start3A_488, %dma_start3A_489] : memref<128x2x100xi32, #tpu.memory_space<vmem>> -> memref<1x1x100xi32, #tpu.memory_space<vmem>>
        %dma_start3A_491 = tpu.memref_squeeze %dma_start3A_490 : memref<1x1x100xi32, #tpu.memory_space<vmem>> -> memref<100xi32, #tpu.memory_space<vmem>>
        %dma_start3A_492 = arith.constant 0 : i32
        %dma_start3A_493 = arith.constant 0 : i32
        %dma_start3A_494 = tpu.memref_slice %arg2[%dma_start3A_492, %dma_start3A_493] : memref<100000x128xf32, #tpu.memory_space<hbm>> -> memref<100000x128xf32, #tpu.memory_space<hbm>>
        tpu.enqueue_indirect_dma source(%dma_start3A_494 : memref<100000x128xf32, #tpu.memory_space<hbm>>) target(%arg9 : memref<100x128xf32, #tpu.memory_space<vmem>>) offsets(%dma_start3A_491 : memref<100xi32, #tpu.memory_space<vmem>>) semaphore(%arg14 : memref<!tpu.dma_semaphore, #tpu.memory_space<semaphore_mem>>)
      } else {
      }
      %mul3A_316 = arith.mulf %scan3A_303#0, %scan3A_303#0 : vector<16xf32>
      %mul3A_317 = arith.mulf %scan3A_303#1, %scan3A_303#1 : vector<16xf32>
      %add3A_318 = arith.addf %mul3A_316, %mul3A_317 : vector<16xf32>
      %mul3A_319 = arith.mulf %scan3A_303#2, %scan3A_303#2 : vector<16xf32>
      %add3A_320 = arith.addf %add3A_318, %mul3A_319 : vector<16xf32>
      %mul3A_321 = arith.mulf %scan3A_303#3, %scan3A_303#3 : vector<16xf32>
      %add3A_322 = arith.addf %add3A_320, %mul3A_321 : vector<16xf32>
      %mul3A_323 = arith.mulf %scan3A_303#4, %scan3A_303#4 : vector<16xf32>
      %add3A_324 = arith.addf %add3A_322, %mul3A_323 : vector<16xf32>
      %mul3A_325 = arith.mulf %scan3A_303#5, %scan3A_303#5 : vector<16xf32>
      %add3A_326 = arith.addf %add3A_324, %mul3A_325 : vector<16xf32>
      %mul3A_327 = arith.mulf %scan3A_303#6, %scan3A_303#6 : vector<16xf32>
      %add3A_328 = arith.addf %add3A_326, %mul3A_327 : vector<16xf32>
      %mul3A_329 = arith.mulf %scan3A_303#7, %scan3A_303#7 : vector<16xf32>
      %add3A_330 = arith.addf %add3A_328, %mul3A_329 : vector<16xf32>
      %slice3A_331 = vector.extract_strided_slice %add3A_330 {offsets = [0], sizes = [1], strides = [1]} : vector<16xf32> to vector<1xf32>
      %squeeze3A_332 = vector.extract %slice3A_331[0] : f32 from vector<1xf32>
      %slice3A_333 = vector.extract_strided_slice %add3A_330 {offsets = [1], sizes = [1], strides = [1]} : vector<16xf32> to vector<1xf32>
      %squeeze3A_334 = vector.extract %slice3A_333[0] : f32 from vector<1xf32>
      %add3A_335 = arith.addf %squeeze3A_332, %squeeze3A_334 : f32
      %slice3A_336 = vector.extract_strided_slice %add3A_330 {offsets = [2], sizes = [1], strides = [1]} : vector<16xf32> to vector<1xf32>
      %squeeze3A_337 = vector.extract %slice3A_336[0] : f32 from vector<1xf32>
      %add3A_338 = arith.addf %add3A_335, %squeeze3A_337 : f32
      %slice3A_339 = vector.extract_strided_slice %add3A_330 {offsets = [3], sizes = [1], strides = [1]} : vector<16xf32> to vector<1xf32>
      %squeeze3A_340 = vector.extract %slice3A_339[0] : f32 from vector<1xf32>
      %add3A_341 = arith.addf %add3A_338, %squeeze3A_340 : f32
      %slice3A_342 = vector.extract_strided_slice %add3A_330 {offsets = [4], sizes = [1], strides = [1]} : vector<16xf32> to vector<1xf32>
      %squeeze3A_343 = vector.extract %slice3A_342[0] : f32 from vector<1xf32>
      %add3A_344 = arith.addf %add3A_341, %squeeze3A_343 : f32
      %slice3A_345 = vector.extract_strided_slice %add3A_330 {offsets = [5], sizes = [1], strides = [1]} : vector<16xf32> to vector<1xf32>
      %squeeze3A_346 = vector.extract %slice3A_345[0] : f32 from vector<1xf32>
      %add3A_347 = arith.addf %add3A_344, %squeeze3A_346 : f32
      %slice3A_348 = vector.extract_strided_slice %add3A_330 {offsets = [6], sizes = [1], strides = [1]} : vector<16xf32> to vector<1xf32>
      %squeeze3A_349 = vector.extract %slice3A_348[0] : f32 from vector<1xf32>
      %add3A_350 = arith.addf %add3A_347, %squeeze3A_349 : f32
      %slice3A_351 = vector.extract_strided_slice %add3A_330 {offsets = [7], sizes = [1], strides = [1]} : vector<16xf32> to vector<1xf32>
      %squeeze3A_352 = vector.extract %slice3A_351[0] : f32 from vector<1xf32>
      %add3A_353 = arith.addf %add3A_350, %squeeze3A_352 : f32
      %slice3A_354 = vector.extract_strided_slice %add3A_330 {offsets = [8], sizes = [1], strides = [1]} : vector<16xf32> to vector<1xf32>
      %squeeze3A_355 = vector.extract %slice3A_354[0] : f32 from vector<1xf32>
      %add3A_356 = arith.addf %add3A_353, %squeeze3A_355 : f32
      %slice3A_357 = vector.extract_strided_slice %add3A_330 {offsets = [9], sizes = [1], strides = [1]} : vector<16xf32> to vector<1xf32>
      %squeeze3A_358 = vector.extract %slice3A_357[0] : f32 from vector<1xf32>
      %add3A_359 = arith.addf %add3A_356, %squeeze3A_358 : f32
      %slice3A_360 = vector.extract_strided_slice %add3A_330 {offsets = [10], sizes = [1], strides = [1]} : vector<16xf32> to vector<1xf32>
      %squeeze3A_361 = vector.extract %slice3A_360[0] : f32 from vector<1xf32>
      %add3A_362 = arith.addf %add3A_359, %squeeze3A_361 : f32
      %slice3A_363 = vector.extract_strided_slice %add3A_330 {offsets = [11], sizes = [1], strides = [1]} : vector<16xf32> to vector<1xf32>
      %squeeze3A_364 = vector.extract %slice3A_363[0] : f32 from vector<1xf32>
      %add3A_365 = arith.addf %add3A_362, %squeeze3A_364 : f32
      %slice3A_366 = vector.extract_strided_slice %add3A_330 {offsets = [12], sizes = [1], strides = [1]} : vector<16xf32> to vector<1xf32>
      %squeeze3A_367 = vector.extract %slice3A_366[0] : f32 from vector<1xf32>
      %add3A_368 = arith.addf %add3A_365, %squeeze3A_367 : f32
      %slice3A_369 = vector.extract_strided_slice %add3A_330 {offsets = [13], sizes = [1], strides = [1]} : vector<16xf32> to vector<1xf32>
      %squeeze3A_370 = vector.extract %slice3A_369[0] : f32 from vector<1xf32>
      %add3A_371 = arith.addf %add3A_368, %squeeze3A_370 : f32
      %slice3A_372 = vector.extract_strided_slice %add3A_330 {offsets = [14], sizes = [1], strides = [1]} : vector<16xf32> to vector<1xf32>
      %squeeze3A_373 = vector.extract %slice3A_372[0] : f32 from vector<1xf32>
      %add3A_374 = arith.addf %add3A_371, %squeeze3A_373 : f32
      %slice3A_375 = vector.extract_strided_slice %add3A_330 {offsets = [15], sizes = [1], strides = [1]} : vector<16xf32> to vector<1xf32>
      %squeeze3A_376 = vector.extract %slice3A_375[0] : f32 from vector<1xf32>
      %add3A_377 = arith.addf %add3A_374, %squeeze3A_376 : f32
      %mul3A_378 = arith.constant 2.500000e-05 : f32
      %mul3A_379 = arith.mulf %add3A_377, %mul3A_378 : f32
      %broadcast_in_dim3A_380 = vector.broadcast %mul3A_379 : f32 to vector<16xf32>
      %max3A_381 = arith.constant 9.99999996E-13 : f32
      %max3A_382 = vector.broadcast %max3A_381 : f32 to vector<16xf32>
      %max3A_383 = arith.maximumf %broadcast_in_dim3A_380, %max3A_382 : vector<16xf32>
      %bitcast3A_384 = vector.bitcast %max3A_383 : vector<16xf32> to vector<16xi32>
      %shift_right_arithmetic3A_385 = arith.constant 1 : i32
      %shift_right_arithmetic3A_386 = vector.broadcast %shift_right_arithmetic3A_385 : i32 to vector<16xi32>
      %shift_right_arithmetic3A_387 = arith.shrsi %bitcast3A_384, %shift_right_arithmetic3A_386 : vector<16xi32>
      %sub3A_388 = arith.constant 1597463007 : i32
      %sub3A_389 = vector.broadcast %sub3A_388 : i32 to vector<16xi32>
      %sub3A_390 = arith.subi %sub3A_389, %shift_right_arithmetic3A_387 : vector<16xi32>
      %bitcast3A_391 = vector.bitcast %sub3A_390 : vector<16xi32> to vector<16xf32>
      %mul3A_392 = arith.constant 5.000000e-01 : f32
      %mul3A_393 = vector.broadcast %mul3A_392 : f32 to vector<16xf32>
      %mul3A_394 = arith.mulf %mul3A_393, %max3A_383 : vector<16xf32>
      %mul3A_395 = arith.mulf %mul3A_394, %bitcast3A_391 : vector<16xf32>
      %mul3A_396 = arith.mulf %mul3A_395, %bitcast3A_391 : vector<16xf32>
      %sub3A_397 = arith.constant 1.500000e+00 : f32
      %sub3A_398 = vector.broadcast %sub3A_397 : f32 to vector<16xf32>
      %sub3A_399 = arith.subf %sub3A_398, %mul3A_396 : vector<16xf32>
      %mul3A_400 = arith.mulf %bitcast3A_391, %sub3A_399 : vector<16xf32>
      %mul3A_401 = arith.constant 5.000000e-01 : f32
      %mul3A_402 = vector.broadcast %mul3A_401 : f32 to vector<16xf32>
      %mul3A_403 = arith.mulf %mul3A_402, %max3A_383 : vector<16xf32>
      %mul3A_404 = arith.mulf %mul3A_403, %mul3A_400 : vector<16xf32>
      %mul3A_405 = arith.mulf %mul3A_404, %mul3A_400 : vector<16xf32>
      %sub3A_406 = arith.constant 1.500000e+00 : f32
      %sub3A_407 = vector.broadcast %sub3A_406 : f32 to vector<16xf32>
      %sub3A_408 = arith.subf %sub3A_407, %mul3A_405 : vector<16xf32>
      %mul3A_409 = arith.mulf %mul3A_400, %sub3A_408 : vector<16xf32>
      %mul3A_410 = arith.constant 5.000000e-01 : f32
      %mul3A_411 = vector.broadcast %mul3A_410 : f32 to vector<16xf32>
      %mul3A_412 = arith.mulf %mul3A_411, %max3A_383 : vector<16xf32>
      %mul3A_413 = arith.mulf %mul3A_412, %mul3A_409 : vector<16xf32>
      %mul3A_414 = arith.mulf %mul3A_413, %mul3A_409 : vector<16xf32>
      %sub3A_415 = arith.constant 1.500000e+00 : f32
      %sub3A_416 = vector.broadcast %sub3A_415 : f32 to vector<16xf32>
      %sub3A_417 = arith.subf %sub3A_416, %mul3A_414 : vector<16xf32>
      %mul3A_418 = arith.mulf %mul3A_409, %sub3A_417 : vector<16xf32>
      %mul3A_419 = arith.constant 5.000000e-03 : f32
      %mul3A_420 = vector.broadcast %mul3A_419 : f32 to vector<16xf32>
      %mul3A_421 = arith.mulf %mul3A_418, %mul3A_420 : vector<16xf32>
      %mul3A_422 = arith.mulf %scan3A_303#0, %mul3A_421 : vector<16xf32>
      %swap3A_423 = arith.constant 1 : i32
      %swap3A_424 = arith.index_cast %swap3A_423 : i32 to index
      %swap3A_425 = arith.constant 0 : index
      %swap3A_426 = tpu.vector_load %arg10[%swap3A_424, %swap3A_425] {strides = array<i32>} : memref<2x128xf32, #tpu.memory_space<vmem>>, vector<16xf32>,
      tpu.vector_store %arg10[%swap3A_424, %swap3A_425], %mul3A_422 {strides = array<i32>} : memref<2x128xf32, #tpu.memory_space<vmem>>, vector<16xf32>,
      %mul3A_427 = arith.mulf %scan3A_303#1, %mul3A_421 : vector<16xf32>
      %swap3A_428 = arith.constant 1 : i32
      %swap3A_429 = arith.index_cast %swap3A_428 : i32 to index
      %swap3A_430 = arith.constant 16 : index
      %swap3A_431 = tpu.vector_load %arg10[%swap3A_429, %swap3A_430] {strides = array<i32>} : memref<2x128xf32, #tpu.memory_space<vmem>>, vector<16xf32>,
      tpu.vector_store %arg10[%swap3A_429, %swap3A_430], %mul3A_427 {strides = array<i32>} : memref<2x128xf32, #tpu.memory_space<vmem>>, vector<16xf32>,
      %mul3A_432 = arith.mulf %scan3A_303#2, %mul3A_421 : vector<16xf32>
      %swap3A_433 = arith.constant 1 : i32
      %swap3A_434 = arith.index_cast %swap3A_433 : i32 to index
      %swap3A_435 = arith.constant 32 : index
      %swap3A_436 = tpu.vector_load %arg10[%swap3A_434, %swap3A_435] {strides = array<i32>} : memref<2x128xf32, #tpu.memory_space<vmem>>, vector<16xf32>,
      tpu.vector_store %arg10[%swap3A_434, %swap3A_435], %mul3A_432 {strides = array<i32>} : memref<2x128xf32, #tpu.memory_space<vmem>>, vector<16xf32>,
      %mul3A_437 = arith.mulf %scan3A_303#3, %mul3A_421 : vector<16xf32>
      %swap3A_438 = arith.constant 1 : i32
      %swap3A_439 = arith.index_cast %swap3A_438 : i32 to index
      %swap3A_440 = arith.constant 48 : index
      %swap3A_441 = tpu.vector_load %arg10[%swap3A_439, %swap3A_440] {strides = array<i32>} : memref<2x128xf32, #tpu.memory_space<vmem>>, vector<16xf32>,
      tpu.vector_store %arg10[%swap3A_439, %swap3A_440], %mul3A_437 {strides = array<i32>} : memref<2x128xf32, #tpu.memory_space<vmem>>, vector<16xf32>,
      %mul3A_442 = arith.mulf %scan3A_303#4, %mul3A_421 : vector<16xf32>
      %swap3A_443 = arith.constant 1 : i32
      %swap3A_444 = arith.index_cast %swap3A_443 : i32 to index
      %swap3A_445 = arith.constant 64 : index
      %swap3A_446 = tpu.vector_load %arg10[%swap3A_444, %swap3A_445] {strides = array<i32>} : memref<2x128xf32, #tpu.memory_space<vmem>>, vector<16xf32>,
      tpu.vector_store %arg10[%swap3A_444, %swap3A_445], %mul3A_442 {strides = array<i32>} : memref<2x128xf32, #tpu.memory_space<vmem>>, vector<16xf32>,
      %mul3A_447 = arith.mulf %scan3A_303#5, %mul3A_421 : vector<16xf32>
      %swap3A_448 = arith.constant 1 : i32
      %swap3A_449 = arith.index_cast %swap3A_448 : i32 to index
      %swap3A_450 = arith.constant 80 : index
      %swap3A_451 = tpu.vector_load %arg10[%swap3A_449, %swap3A_450] {strides = array<i32>} : memref<2x128xf32, #tpu.memory_space<vmem>>, vector<16xf32>,
      tpu.vector_store %arg10[%swap3A_449, %swap3A_450], %mul3A_447 {strides = array<i32>} : memref<2x128xf32, #tpu.memory_space<vmem>>, vector<16xf32>,
      %mul3A_452 = arith.mulf %scan3A_303#6, %mul3A_421 : vector<16xf32>
      %swap3A_453 = arith.constant 1 : i32
      %swap3A_454 = arith.index_cast %swap3A_453 : i32 to index
      %swap3A_455 = arith.constant 96 : index
      %swap3A_456 = tpu.vector_load %arg10[%swap3A_454, %swap3A_455] {strides = array<i32>} : memref<2x128xf32, #tpu.memory_space<vmem>>, vector<16xf32>,
      tpu.vector_store %arg10[%swap3A_454, %swap3A_455], %mul3A_452 {strides = array<i32>} : memref<2x128xf32, #tpu.memory_space<vmem>>, vector<16xf32>,
      %mul3A_457 = arith.mulf %scan3A_303#7, %mul3A_421 : vector<16xf32>
      %swap3A_458 = arith.constant 1 : i32
      %swap3A_459 = arith.index_cast %swap3A_458 : i32 to index
      %swap3A_460 = arith.constant 112 : index
      %swap3A_461 = tpu.vector_load %arg10[%swap3A_459, %swap3A_460] {strides = array<i32>} : memref<2x128xf32, #tpu.memory_space<vmem>>, vector<16xf32>,
      tpu.vector_store %arg10[%swap3A_459, %swap3A_460], %mul3A_457 {strides = array<i32>} : memref<2x128xf32, #tpu.memory_space<vmem>>, vector<16xf32>,
      %mul3A_462 = arith.constant 128 : i32
      %mul3A_463 = arith.muli %add3A, %mul3A_462 : i32
      %mul3A_464 = arith.constant 2 : i32
      %mul3A_465 = arith.muli %mul3A_464, %scan3A_44 : i32
      %add3A_466 = arith.addi %mul3A_463, %mul3A_465 : i32
      %dma_start3A_467 = arith.constant 0 : i32
      %dma_start3A_468 = tpu.memref_slice %arg4[%add3A_466, %dma_start3A_467] : memref<4096x128xf32, #tpu.memory_space<hbm>> -> memref<2x128xf32, #tpu.memory_space<hbm>>
      %dma_start3A_469 = arith.constant 0 : i32
      %dma_start3A_470 = tpu.memref_slice %arg4[%add3A_466, %dma_start3A_469] : memref<4096x128xf32, #tpu.memory_space<hbm>> -> memref<2x128xf32, #tpu.memory_space<hbm>>
      tpu.enqueue_dma source(%arg10 : memref<2x128xf32, #tpu.memory_space<vmem>>) target(%dma_start3A_470 : memref<2x128xf32, #tpu.memory_space<hbm>>) target_semaphore(%arg15 : memref<!tpu.dma_semaphore, #tpu.memory_space<semaphore_mem>>)
    }
    %scan3A_38 = arith.constant 64 : i32
    %dma_wait3A = arith.constant 0 : i32
    %dma_wait3A_39 = arith.constant 0 : i32
    %dma_wait3A_40 = tpu.memref_slice %arg4[%dma_wait3A, %dma_wait3A_39] : memref<4096x128xf32, #tpu.memory_space<hbm>> -> memref<2x128xf32, #tpu.memory_space<hbm>>
    %dma_wait3A_41 = arith.constant 0 : i32
    %dma_wait3A_42 = arith.constant 0 : i32
    %dma_wait3A_43 = tpu.memref_slice %arg4[%dma_wait3A_41, %dma_wait3A_42] : memref<4096x128xf32, #tpu.memory_space<hbm>> -> memref<2x128xf32, #tpu.memory_space<hbm>>
    tpu.wait_dma2 semaphore(%arg15 : memref<!tpu.dma_semaphore, #tpu.memory_space<semaphore_mem>>) src(%arg10 : memref<2x128xf32, #tpu.memory_space<vmem>>) dst(%dma_wait3A_43 : memref<2x128xf32, #tpu.memory_space<hbm>>)
    return
  }
}

</mosaic_0001>

<sc_bundles>
// kernel: kernel.3.cloned.1.call-start
scs
__scs_entry_jumppad:
0x0: {  	(pc) =	sbr.rel $0x88, $3  }
0x1: {  	(tag) =	ssettag $0x0;
	lr =	simm.s32 $0x1  }
0x2: {  	[smem:$0x3F9F] =	sst lr;
	_ =	strace $0xD0000000  }
0x3: {  	_ = 	snop  }
0x4: {  	_ = 	snop  }
0x5: {  	_ = 	snop  }
0x6: {  	_ = 	snop  }
0x7: {  	_ = 	snop  }
__scs_overlays_trampoline_lowered:
0x8: {  	[smem:$0x3FAE] =	sst s0  }
0x9: {  	[smem:$0x3FAF] =	sst s1  }
0xa: {  	[smem:$0x3FB0] =	sst s2  }
0xb: {  	[smem:$0x3FB1] =	sst s3  }
0xc: {  	[smem:$0x3FB2] =	sst s4  }
0xd: {  	[smem:$0x3FB3] =	sst s5  }
0xe: {  	[smem:$0x3FB4] =	sst s6  }
0xf: {  	[smem:$0x3FB5] =	sst s7  }
0x10: {  	[smem:$0x3FB6] =	sst s8  }
0x11: {  	[smem:$0x3FB7] =	sst s9;
	s0 =	simm.s32 @!p0 $0x0  }
0x12: {  	s1 =	sld [smem:$0x3F9D];
	s0 =	simm.s32 @p0 $0x1  }
0x13: {  	[smem:$0x3FB8] =	sst s0;
	s0 =	simm.s32 @!p1 $0x0  }
0x14: {  	s2 =	sld [smem:$0x3F9C];
	s0 =	simm.s32 @p1 $0x1  }
0x15: {  	[smem:$0x3FB9] =	sst s0;
	s0 =	simm.s32 @!p2 $0x0  }
0x16: {  	s3 =	sld [smem:$0x3FDB];
	s0 =	simm.s32 @p2 $0x1  }
0x17: {  	s4 =	simm.s32 $0x1BF5;
	[smem:$0x3FBB] =	sst s0  }
0x18: {  	s0 =	sld [smem:$0x3F9E];
	_ =	swait.ge [sflag:s4], $0x0  }
0x19: {  	s7 =	sld [smem:$0x3F9F]  }
0x1a: {  	s8 =	sadd.s32 $0xFFFFE003, lr  }
0x1b: {  	s9 =	sadd.s32 $0xFFFFFEF7, lr;
	s5 =	simm.s32 $0xFFFFFFFF;
	p2 =	slt.u32 s8, $0xFFFFF086  }
0x1c: {  	p1 =	slt.u32 s9, $0xF7A;
	s5 =	simm.s32 @!p2 $0x0  }
0x1d: {  	s5 =	simm.s32 @p1 $0x1;
	p0 =	seq.s32 s7, s2  }
0x1e: {  	s7 =	smul.u32 @!p0 $0xF7A, s2;
	p2 =	seq.s32 @!p0 s5, $0x0  }
0x1f: {  	s9 =	smul.u32 $0xF7A, s1;
	s8 =	simm.s32 @!p0 $0x1BF5;
	p2 =	por !p2, p0  }
0x20: {  	[sflag:s8] =	ssyncset.s32 @!p0 $0xFFFFF086;
	s6 =	sadd.s32 @!p0 s3, s7;
	s7 =	simm.s32 @!p0 $0x108  }
0x21: {  	s3 =	sadd.s32 s3, s9;
	s6 =	sadd.s32 @!p0 $0x88, s6;
	s7 =	simm.s32 @p2 $0x1082  }
0x22: {  	[simem:s7], [sflag:s8] =	dma.local @!p0 [hbm:s6], $0xF7A  }
0x23: {  	s9 =	sor.u32 $0xD0000000, s2;
	s6 =	simm.s32 $0x108;
	_ =	swait.ge @!p0 [sflag:s8], $0x0  }
0x24: {  	s3 =	sadd.s32 $0x88, s3;
	s6 =	simm.s32 @!p1 $0x1082;
	[sflag:s4] =	ssyncset.s32 $0xFFFFF086  }
0x25: {  	[simem:s6], [sflag:s4] =	dma.local [hbm:s3], $0xF7A  }
0x26: {  	[smem:$0x3F9F] =	sst s1;
	(tag) =	ssettag s2;
	_ =	strace s9  }
0x27: {  	s1 =	sld [smem:$0x3FAF]  }
0x28: {  	s2 =	sld [smem:$0x3FB0]  }
0x29: {  	s4 =	sld [smem:$0x3FB2]  }
0x2a: {  	p0 =	seq.s32 s5, $0x0;
	s5 =	sld [smem:$0x3FB3]  }
0x2b: {  	s6 =	sld [smem:$0x3FB4]  }
0x2c: {  	s7 =	sld [smem:$0x3FB5]  }
0x2d: {  	s3 =	simm.s32 $0x108;
	s8 =	sld [smem:$0x3FB6]  }
0x2e: {  	s3 =	simm.s32 @!p0 $0x1082;
	s9 =	sld [smem:$0x3FB7]  }
0x2f: {  	lr =	sadd.s32 s0, s3;
	s0 =	sld [smem:$0x3FAE]  }
0x30: {  	s3 =	sld [smem:$0x3FB1]  }
0x31: {  	[smem:$0x3FBA] =	sst s10  }
0x32: {  	s10 =	sld [smem:$0x3FB8];
	_ =	sdelay $0x3  }
0x33: {  	p0 =	seq.s32 s10, $0x1;
	s10 =	sld [smem:$0x3FBA];
	_ =	sdelay $0x3  }
0x34: {  	[smem:$0x3FBA] =	sst s10  }
0x35: {  	s10 =	sld [smem:$0x3FB9];
	_ =	sdelay $0x3  }
0x36: {  	p1 =	seq.s32 s10, $0x1;
	s10 =	sld [smem:$0x3FBA];
	_ =	sdelay $0x3  }
0x37: {  	[smem:$0x3FBA] =	sst s10  }
0x38: {  	s10 =	sld [smem:$0x3FBB]  }
0x39: {  	_ = 	snop;
	(pc) =	sbr.ind lr, $3  }
0x3a: {  	_ = 	snop  }
0x3b: {  	_ = 	snop  }
0x3c: {  	p2 =	seq.s32 s10, $0x1;
	s10 =	sld [smem:$0x3FBA]  }
0x3d: {  	_ =	shalt  }
0x3e: {  	_ =	shalt  }
0x3f: {  	_ =	shalt  }
0x40: {  	_ =	shalt  }
0x41: {  	_ =	shalt  }
0x42: {  	_ =	shalt  }
0x43: {  	_ =	shalt  }
0x44: {  	_ =	shalt  }
0x45: {  	_ =	shalt  }
0x46: {  	_ =	shalt  }
0x47: {  	_ =	shalt  }
0x48: {  	_ =	shalt  }
0x49: {  	_ =	shalt  }
0x4a: {  	_ =	shalt  }
0x4b: {  	_ =	shalt  }
0x4c: {  	_ =	shalt  }
0x4d: {  	_ =	shalt  }
0x4e: {  	_ =	shalt  }
0x4f: {  	_ =	shalt  }
0x50: {  	_ =	shalt  }
0x51: {  	_ =	shalt  }
0x52: {  	_ =	shalt  }
0x53: {  	_ =	shalt  }
0x54: {  	_ =	shalt  }
0x55: {  	_ =	shalt  }
0x56: {  	_ =	shalt  }
0x57: {  	_ =	shalt  }
0x58: {  	_ =	shalt  }
0x59: {  	_ =	shalt  }
0x5a: {  	_ =	shalt  }
0x5b: {  	_ =	shalt  }
0x5c: {  	_ =	shalt  }
0x5d: {  	_ =	shalt  }
0x5e: {  	_ =	shalt  }
0x5f: {  	_ =	shalt  }
0x60: {  	_ =	shalt  }
0x61: {  	_ =	shalt  }
0x62: {  	_ =	shalt  }
0x63: {  	_ =	shalt  }
0x64: {  	_ =	shalt  }
0x65: {  	_ =	shalt  }
0x66: {  	_ =	shalt  }
0x67: {  	_ =	shalt  }
0x68: {  	_ =	shalt  }
0x69: {  	_ =	shalt  }
0x6a: {  	_ =	shalt  }
0x6b: {  	_ =	shalt  }
0x6c: {  	_ =	shalt  }
0x6d: {  	_ =	shalt  }
0x6e: {  	_ =	shalt  }
0x6f: {  	_ =	shalt  }
0x70: {  	_ =	shalt  }
0x71: {  	_ =	shalt  }
0x72: {  	_ =	shalt  }
0x73: {  	_ =	shalt  }
0x74: {  	_ =	shalt  }
0x75: {  	_ =	shalt  }
0x76: {  	_ =	shalt  }
0x77: {  	_ =	shalt  }
0x78: {  	_ =	shalt  }
0x79: {  	_ =	shalt  }
0x7a: {  	_ =	shalt  }
0x7b: {  	_ =	shalt  }
0x7c: {  	_ =	shalt  }
0x7d: {  	_ =	shalt  }
0x7e: {  	_ =	shalt  }
0x7f: {  	_ =	shalt  }
0x80: {  	_ =	shalt  }
0x81: {  	_ =	shalt  }
0x82: {  	_ =	shalt  }
0x83: {  	_ =	shalt  }
0x84: {  	_ =	shalt  }
0x85: {  	_ =	shalt  }
0x86: {  	_ =	shalt  }
0x87: {  	_ =	shalt  }
.Lfunc_end0:
.L_simem_size_0:
called_computation_lowered:
.L_overlay_start_0:
0x88: {  	s2 =	sld [smem:$0x3FD9]  }
0x89: {  	s3 =	sld [smem:$0x3FFE];
	_ =	sdelay $0x1  }
0x8a: {  	s1 =	srdreg.scid  }
0x8b: {  	s0 =	sand.u32 $0x1, s1  }
0x8c: {  	s17 =	sshll.u32 s0, $0xA;
	s2 =	sadd.s32 s3, s2  }
0x8d: {  	s2 =	sadd.s32 s2, s17  }
0x8e: {  	[smem:$0x3FC6] =	sst s2  }
0x8f: {  	_ = 	snop  }
0x90: {  	s2 =	sld [smem:$0x3FC8]  }
0x91: {  	s18 =	sld [smem:$0x3FD0];
	(tm) =	ssettm $0x1  }
0x92: {  	s4 =	sld [smem:$0x3FFB];
	_ =	sdelay $0x3  }
0x93: {  	_ =	strace s4  }
0x94: {  	s4 =	sld [smem:$0x3FFC];
	_ =	sdelay $0x3  }
0x95: {  	_ =	strace s4  }
0x96: {  	s4 =	sld [smem:$0x3FFD];
	_ =	sdelay $0x3  }
0x97: {  	_ =	strace s4  }
0x98: {  	_ =	strace $0x8FFFFFFF  }
0x99: {  	s19 =	sld [smem:$0x3FDB];
	_ =	sdelay $0x1  }
0x9a: {  	s5 =	simm.s32 $_scs_section_size  }
0x9b: {  	s6 =	simm.s32 $_size__tile_overlayer_lowered;
	s7 =	simm.s32 $_tile_overlayer_lowered  }
0x9c: {  	s22 =	simm.s32 $0x1BFF;
	s21 =	sshll.u32 s7, $0x1;
	s4 =	sadd.s32 s5, s19  }
0x9d: {  	s8 =	simm.s32 $0x0;
	s20 =	sshll.u32 s6, $0x1;
	s6 =	sadd.s32 s21, s4  }
0x9e: {  	[timem:s8], [sflag:s22] =	dma.local [hbm:s6], s20  }
0x9f: {  	_ =	swait.ge [sflag:s22], s20  }
0xa0: {  	s5 =	ssub.s32 $0x0, s20;
	[sflag:s22] =	ssyncset.done $0x0  }
0xa1: {  	[sflag:s22] =	ssyncadd.s32 s5;
	_ =	sdelay $0x1  }
0xa2: {  	s23 =	simm.s32 $0x1B8B  }
0xa3: {  	_ =	swait.ge [sflag:s23], $0x1  }
0xa4: {  	[sflag:s23] =	ssyncset.done $0x0  }
0xa5: {  	s25 =	simm.s32 $0x1B8E;
	s24 =	sld [smem:$0x3FFE];
	[sflag:s23] =	ssyncadd.s32 $0xFFFFFFFF  }
0xa6: {  	s26 =	simm.s32 $execute0_lowered;
	[smem:$0x3FD2] =	sst s25  }
0xa7: {  	s6 =	sshll.u32 s26, $0x1;
	_ =	strace $0x80000046;
	[dreg:$0x1] =	wrdreg $0xFFFFFFFF  }
0xa8: {  	s28 =	simm.s32 $_size_execute0_lowered;
	s4 =	sadd.s32 s4, s6;
	[dreg:$0x0] =	wrdreg $0x0  }
0xa9: {  	s6 =	sshll.u32 s28, $0x1;
	[dreg:$0x2] =	wrdreg s4  }
0xaa: {  	[dreg:$0x3] =	wrdreg s6  }
0xab: {  	[dreg:$0x4] =	wrdreg $0xC0  }
0xac: {  	_ =	task [dreg:s8], $0x5FFFF  }
0xad: {  	[dreg:$0x1] =	wrdreg $0xFFFFFFFF  }
0xae: {  	[dreg:$0x0] =	wrdreg $0x60  }
0xaf: {  	[dreg:$0x2] =	wrdreg s2  }
0xb0: {  	[dreg:$0x3] =	wrdreg s24  }
0xb1: {  	[dreg:$0x4] =	wrdreg s18  }
0xb2: {  	[dreg:$0x5] =	wrdreg $0x9  }
0xb3: {  	_ =	task.clear_ibuf [dreg:s8], $0x6FFFF;
	_ =	strace $0x90000046  }
0xb4: {  	s29 =	simm.s32 $0x9;
	_ =	strace $0x80000048  }
0xb5: {  	_ =	swait.ge [sflag:s29], $0x1  }
0xb6: {  	[sflag:s29] =	ssyncadd.s32 $0xFFFFFFFF  }
0xb7: {  	_ =	strace $0x90000048  }
0xb8: {  	_ =	sfence  }
0xb9: {  	s30 =	sld [smem:$0x0];
	_ =	sdelay $0x2  }
0xba: {  	s31 =	sshll.u32 s1, $0xD;
	s1 =	sshrl.u32 s1, $0x2  }
0xbb: {  	s3 =	sand.u32 $0x4000, s31;
	s1 =	sadd.s32 s1, s30  }
0xbc: {  	s0 =	sor.u32 s3, s0;
	s1 =	sshll.u32 s1, $0x11  }
0xbd: {  	s0 =	sor.u32 s1, s0  }
0xbe: {  	s0 =	sadd.s32 $0x8F2B, s0  }
0xbf: {  	[sflag:s0] =	ssyncadd.remote.s32 $0x1  }
0xc0: {  	_ =	sfence.sel $0xFFFF  }
0xc1: {  	[dreg:$0x0] =	wrdreg $0xFFFFFFFF;
	(pc) =	sbr.abs _section_cstart, $3  }
0xc2: {  	[dreg:$0x1] =	wrdreg $0xFFFFFFFF  }
0xc3: {  	_ =	task.clear_ibuf [dreg:s8], $0x2FFFF;
	_ =	strace $0x9FFFFFFF  }
0xc4: {  	(tm) =	ssettm $0x7FFFFFFF  }
0xc5: {  	_ =	shalt  }
tec
execute0_lowered:
.L_overlay_start_1:
0x0: {  	(tag) =	ssettag $0x1  }
0x1: {  	s1 =	rddreg [dreg:$0x0]  }
0x2: {  	s2 =	srdreg.scid;
	s4 =	rddreg [dreg:$0x1]  }
0x3: {  	s0 =	stileid.u32;
	s6 =	rddreg [dreg:$0x2]  }
0x4: {  	s3 =	simm.s32 $0x0;
	s9 =	simm.s32 $0x8000;
	s10 =	simm.s32 $0x80  }
0x5: {  	s11 =	simm.s32 $0xB400;
	s12 =	simm.s32 $0x100;
	s13 =	simm.s32 $0xE800  }
0x6: {  	s14 =	simm.s32 $0x180;
	s15 =	simm.s32 $0x11C00;
	s16 =	simm.s32 $0x1  }
0x7: {  	s17 =	simm.s32 $0x2;
	s18 =	simm.s32 $0x3;
	s19 =	simm.s32 $0x4  }
0x8: {  	s20 =	simm.s32 $0x15000;
	s21 =	simm.s32 $0x5;
	s22 =	simm.s32 $0x0  }
0x9: {  	s5 =	sand.u32 $0x1, s2;
	s7 =	sshll.u32 s0, $0x8;
	s2 =	rddreg [dreg:$0x3]  }
0xa: {  	[smem:$0x7FF] =	sst s3;
	s8 =	sshll.u32 s5, $0x7;
	s5 =	ssub.s32 $0x2, s5  }
0xb: {  	_ =	strace $0x80000047;
	s7 =	sor.u32 s8, s7;
	s30 =	sshrl.u32 s5, $0x1  }
0xc: {  	s8 =	sshll.u32 s7, $0x5;
	s31 =	sshll.u32 s7, $0x4;
	s7 =	simm.s32 $0x6  }
0xd: {  	s4 =	sadd.s32 s8, s4;
	s8 =	ssub.s32 s5, s30;
	s5 =	sadd.s32 s6, s31  }
0xe: {  	s4 =	sadd.s32 $0x400, s4;
	s6 =	smax.u32 s8, $0x1;
	s8 =	simm.s32 $0x64  }
.LBB2_1:
0xf: {  	[tilespmem:s3], [sflag:$0x6] =	stream.linear.gather [hbm4b:s4+s3], $0x8000, $0x38;
	[tilespmem:$0x15100] =	vst v63  }
0x10: {  	_ =	swait.ge [sflag:s7], $0x8000  }
0x11: {  	[sflag:s7] =	ssyncset.done $0x0  }
0x12: {  	[sflag:s7] =	ssyncadd.s32 $0xFFFF8000  }
0x13: {  	[tilespmem:s9], [sflag:$0x1] =	stream.indirect.gather [hbm4b:s1+s8], $0x80, s3, s8, $0xb8;
	[tilespmem:$0x15100] =	vst v63  }
0x14: {  	_ = 	snop  }
0x15: {  	[tilespmem:s11], [sflag:$0x2] =	stream.indirect.gather [hbm4b:s1+s8], $0x80, s10, s8, $0xb8;
	[tilespmem:$0x15100] =	vst v63  }
0x16: {  	_ = 	snop  }
0x17: {  	[tilespmem:s13], [sflag:$0x3] =	stream.indirect.gather [hbm4b:s1+s8], $0x80, s12, s8, $0xb8;
	[tilespmem:$0x15100] =	vst v63  }
0x18: {  	s23 =	simm.s32 $0x0  }
0x19: {  	[tilespmem:s15], [sflag:$0x4] =	stream.indirect.gather [hbm4b:s1+s8], $0x80, s14, s8, $0xb8;
	[tilespmem:$0x15100] =	vst v63  }
.LBB2_2:
0x1a: {  	p0 =	seq.s32 s23, $0x0  }
0x1b: {  	s24 =	simm.s32 @!p0 $0x5  }
0x1c: {  	_ =	swait.ge @!p0 [sflag:s24], $0x100  }
0x1d: {  	[sflag:s24] =	ssyncset.done @!p0 $0x0  }
0x1e: {  	[sflag:s24] =	ssyncadd.s32 @!p0 $0xFFFFFF00  }
0x1f: {  	_ =	swait.ge [sflag:s16], $0x3200  }
0x20: {  	[sflag:s16] =	ssyncset.done $0x0  }
0x21: {  	s25 =	simm.s32 $0x8100;
	[sflag:s16] =	ssyncadd.s32 $0xFFFFCE00  }
0x22: {  	v4 =	vld [tilespmem:s25+$0x80]  }
0x23: {  	v5 =	vld [tilespmem:s25+$0x90]  }
0x24: {  	v6 =	vld [tilespmem:s25+$0xA0]  }
0x25: {  	v7 =	vld [tilespmem:s25+$0xB0]  }
0x26: {  	v0 =	vld [tilespmem:s25+$0xC0]  }
0x27: {  	v1 =	vld [tilespmem:s25+$0xD0]  }
0x28: {  	v8 =	vld [tilespmem:s25+$0x0]  }
0x29: {  	v9 =	vld [tilespmem:s25+$0x10]  }
0x2a: {  	v10 =	vld [tilespmem:s25+$0x20]  }
0x2b: {  	v11 =	vld [tilespmem:s25+$0x30]  }
0x2c: {  	v2 =	vld [tilespmem:s25+$0x40]  }
0x2d: {  	v3 =	vld [tilespmem:s25+$0x50]  }
0x2e: {  	v12 =	vld [tilespmem:s25+$0xFFFFFF80]  }
0x2f: {  	v13 =	vld [tilespmem:s25+$0xFFFFFF90]  }
0x30: {  	v14 =	vld [tilespmem:s25+$0xFFFFFF00]  }
0x31: {  	v15 =	vld [tilespmem:s25+$0xFFFFFF10]  }
0x32: {  	v16 =	vld [tilespmem:s25+$0xFFFFFF20]  }
0x33: {  	v17 =	vld [tilespmem:s25+$0xFFFFFF30]  }
0x34: {  	v18 =	vld [tilespmem:s25+$0xFFFFFFA0]  }
0x35: {  	v19 =	vld [tilespmem:s25+$0xFFFFFFB0]  }
0x36: {  	v20 =	vimm.f32 $0.0e+00;
	v21 =	vld [tilespmem:s25+$0xFFFFFFC0]  }
0x37: {  	v22 =	vld [tilespmem:s25+$0xFFFFFFD0];
	v14 =	vadd.f32 v14, v20;
	v15 =	vadd.f32 v15, v20  }
0x38: {  	v23 =	vld [tilespmem:s25+$0xFFFFFF40];
	v16 =	vadd.f32 v16, v20;
	v17 =	vadd.f32 v17, v20  }
0x39: {  	v24 =	vld [tilespmem:s25+$0xFFFFFF50];
	v12 =	vadd.f32 v12, v14;
	v13 =	vadd.f32 v13, v15  }
0x3a: {  	v14 =	vld [tilespmem:s25+$0xFFFFFF60];
	v15 =	vadd.f32 v18, v16;
	v16 =	vadd.f32 v19, v17  }
0x3b: {  	v17 =	vld [tilespmem:s25+$0xFFFFFF70];
	v8 =	vadd.f32 v8, v12;
	v9 =	vadd.f32 v9, v13  }
0x3c: {  	v12 =	vld [tilespmem:s25+$0xFFFFFFE0];
	v10 =	vadd.f32 v10, v15;
	v11 =	vadd.f32 v11, v16  }
0x3d: {  	v15 =	vld [tilespmem:s25+$0xFFFFFFF0];
	v8 =	vadd.f32 v4, v8;
	v9 =	vadd.f32 v5, v9  }
0x3e: {  	v13 =	vld [tilespmem:s25+$0x60];
	v10 =	vadd.f32 v6, v10;
	v11 =	vadd.f32 v7, v11  }
0x3f: {  	v16 =	vld [tilespmem:s25+$0x70];
	v4 =	vadd.f32 v23, v20;
	v5 =	vadd.f32 v24, v20  }
0x40: {  	v18 =	vadd.f32 v14, v20;
	v19 =	vadd.f32 v17, v20;
	v14 =	vld [tilespmem:s25+$0xE0]  }
0x41: {  	s24 =	simm.s32 $0x0;
	v17 =	vld [tilespmem:s25+$0xF0];
	s25 =	simm.s32 $0x8300;
	v20 =	vadd.f32 v21, v4;
	v21 =	vadd.f32 v22, v5  }
.LBB2_3:
0x42: {  	v4 =	vld [tilespmem:s25+$0x80];
	v5 =	vadd.f32 v12, v18;
	v6 =	vadd.f32 v15, v19  }
0x43: {  	v7 =	vld [tilespmem:s25+$0x90];
	v2 =	vadd.f32 v2, v20;
	v3 =	vadd.f32 v3, v21  }
0x44: {  	v18 =	vld [tilespmem:s25+$0xA0];
	v5 =	vadd.f32 v13, v5;
	v6 =	vadd.f32 v16, v6  }
0x45: {  	v16 =	vld [tilespmem:s25+$0xB0];
	v19 =	vadd.f32 v0, v2;
	v20 =	vadd.f32 v1, v3  }
0x46: {  	v0 =	vld [tilespmem:s25+$0xC0];
	v5 =	vadd.f32 v14, v5;
	v6 =	vadd.f32 v17, v6  }
0x47: {  	v1 =	vld [tilespmem:s25+$0xD0]  }
0x48: {  	v12 =	vld [tilespmem:s25+$0x0]  }
0x49: {  	v13 =	vld [tilespmem:s25+$0x10]  }
0x4a: {  	v14 =	vld [tilespmem:s25+$0x20]  }
0x4b: {  	v15 =	vld [tilespmem:s25+$0x30]  }
0x4c: {  	v2 =	vld [tilespmem:s25+$0x40]  }
0x4d: {  	v3 =	vld [tilespmem:s25+$0x50]  }
0x4e: {  	v17 =	vld [tilespmem:s25+$0xFFFFFF80]  }
0x4f: {  	v21 =	vld [tilespmem:s25+$0xFFFFFF90]  }
0x50: {  	v22 =	vld [tilespmem:s25+$0xFFFFFF00]  }
0x51: {  	v23 =	vld [tilespmem:s25+$0xFFFFFF10]  }
0x52: {  	v24 =	vld [tilespmem:s25+$0xFFFFFF20]  }
0x53: {  	v25 =	vld [tilespmem:s25+$0xFFFFFF30]  }
0x54: {  	v26 =	vld [tilespmem:s25+$0xFFFFFFA0]  }
0x55: {  	v27 =	vld [tilespmem:s25+$0xFFFFFFB0]  }
0x56: {  	v28 =	vld [tilespmem:s25+$0xFFFFFFC0]  }
0x57: {  	v8 =	vadd.f32 v22, v8;
	v9 =	vadd.f32 v23, v9;
	v22 =	vld [tilespmem:s25+$0xFFFFFFD0]  }
0x58: {  	v10 =	vadd.f32 v24, v10;
	v11 =	vadd.f32 v25, v11;
	v23 =	vld [tilespmem:s25+$0xFFFFFF40]  }
0x59: {  	v8 =	vadd.f32 v17, v8;
	v9 =	vadd.f32 v21, v9;
	v24 =	vld [tilespmem:s25+$0xFFFFFF50]  }
0x5a: {  	v10 =	vadd.f32 v26, v10;
	v17 =	vld [tilespmem:s25+$0xFFFFFF60];
	v11 =	vadd.f32 v27, v11  }
0x5b: {  	s24 =	sadd.s32 $0x4, s24;
	v8 =	vadd.f32 v12, v8;
	v9 =	vadd.f32 v13, v9;
	v21 =	vld [tilespmem:s25+$0xFFFFFF70]  }
0x5c: {  	p0 =	slt.u32 s24, $0x60;
	v10 =	vadd.f32 v14, v10;
	v12 =	vld [tilespmem:s25+$0xFFFFFFE0];
	v11 =	vadd.f32 v15, v11  }
.Ltmp0:
0x5d: {  	v8 =	vadd.f32 v4, v8;
	v9 =	vadd.f32 v7, v9;
	v15 =	vld [tilespmem:s25+$0xFFFFFFF0];
	(pc) =	sbr.rel @p0 .LBB2_3-.Ltmp0, $4  }
0x5e: {  	v10 =	vadd.f32 v18, v10;
	v13 =	vld [tilespmem:s25+$0x60];
	v11 =	vadd.f32 v16, v11  }
0x5f: {  	v4 =	vadd.f32 v23, v19;
	v7 =	vadd.f32 v24, v20;
	v16 =	vld [tilespmem:s25+$0x70]  }
0x60: {  	v18 =	vadd.f32 v17, v5;
	v19 =	vadd.f32 v21, v6;
	v14 =	vld [tilespmem:s25+$0xE0]  }
0x61: {  	v20 =	vadd.f32 v28, v4;
	v21 =	vadd.f32 v22, v7;
	v17 =	vld [tilespmem:s25+$0xF0];
	s25 =	sadd.s32 $0x200, s25  }
0x62: {  	s24 =	sshll.u32 s23, $0xB;
	p0 =	seq.s32 s23, $0x3F  }
0x63: {  	s24 =	sshrl.u32 @!p0 s24, $0x2  }
0x64: {  	s26 =	simm.s32 @!p0 $0x64;
	s28 =	simm.s32 @!p0 $0x8000;
	s25 =	sadd.s32 @!p0 $0x200, s24  }
0x65: {  	[tilespmem:s28], [sflag:$0x1] =	stream.indirect.gather @!p0 [hbm4b:s1+s26], $0x80, s25, s26, $0xb8;
	[tilespmem:$0x15100] =	vst v63  }
0x66: {  	_ =	swait.ge [sflag:s17], $0x3200  }
0x67: {  	[sflag:s17] =	ssyncset.done $0x0  }
0x68: {  	s31 =	simm.s32 $0xB500;
	[sflag:s17] =	ssyncadd.s32 $0xFFFFCE00  }
0x69: {  	v22 =	vld [tilespmem:s31+$0x80]  }
0x6a: {  	v23 =	vld [tilespmem:s31+$0x90]  }
0x6b: {  	v24 =	vld [tilespmem:s31+$0xA0]  }
0x6c: {  	v25 =	vld [tilespmem:s31+$0xB0]  }
0x6d: {  	v5 =	vld [tilespmem:s31+$0xC0]  }
0x6e: {  	v4 =	vld [tilespmem:s31+$0xD0]  }
0x6f: {  	v26 =	vld [tilespmem:s31+$0x0]  }
0x70: {  	v27 =	vld [tilespmem:s31+$0x10]  }
0x71: {  	v28 =	vld [tilespmem:s31+$0x20]  }
0x72: {  	v29 =	vld [tilespmem:s31+$0x30]  }
0x73: {  	v7 =	vld [tilespmem:s31+$0x40]  }
0x74: {  	v6 =	vld [tilespmem:s31+$0x50]  }
0x75: {  	v30 =	vld [tilespmem:s31+$0xFFFFFF80]  }
0x76: {  	v31 =	vld [tilespmem:s31+$0xFFFFFF90]  }
0x77: {  	v12 =	vadd.f32 v12, v18;
	v32 =	vld [tilespmem:s31+$0xFFFFFF00]  }
0x78: {  	v33 =	vld [tilespmem:s31+$0xFFFFFF10]  }
0x79: {  	v15 =	vadd.f32 v15, v19;
	v12 =	vadd.f32 v13, v12;
	v18 =	vld [tilespmem:s31+$0xFFFFFF20]  }
0x7a: {  	v2 =	vadd.f32 v2, v20;
	v3 =	vadd.f32 v3, v21;
	v19 =	vld [tilespmem:s31+$0xFFFFFF30]  }
0x7b: {  	v13 =	vadd.f32 v16, v15;
	v14 =	vadd.f32 v14, v12;
	v12 =	vld [tilespmem:s31+$0xFFFFFF50]  }
0x7c: {  	v16 =	vadd.f32 v0, v2;
	v15 =	vld [tilespmem:s31+$0xFFFFFFA0]  }
0x7d: {  	v62 =	vadd.f32 v1, v3;
	v13 =	vadd.f32 v17, v13;
	v0 =	vld [tilespmem:s31+$0xFFFFFFB0]  }
0x7e: {  	v17 =	vld [tilespmem:s31+$0xFFFFFFC0];
	v1 =	vadd.f32 v32, v8;
	v2 =	vadd.f32 v33, v9  }
0x7f: {  	v3 =	vadd.f32 v18, v10;
	v8 =	vadd.f32 v19, v11;
	v11 =	vld [tilespmem:s31+$0xFFFFFF40]  }
0x80: {  	v63 =	vld [tilespmem:s31+$0xFFFFFFD0];
	v20 =	vadd.f32 v12, v62;
	v1 =	vadd.f32 v30, v1  }
0x81: {  	v18 =	vld [tilespmem:s31+$0xFFFFFF60];
	v2 =	vadd.f32 v31, v2;
	v3 =	vadd.f32 v15, v3  }
0x82: {  	v19 =	vld [tilespmem:s31+$0xFFFFFF70];
	v0 =	vadd.f32 v0, v8;
	v1 =	vadd.f32 v26, v1  }
0x83: {  	v10 =	vld [tilespmem:s31+$0xFFFFFFF0];
	v2 =	vadd.f32 v27, v2;
	v15 =	vadd.f32 v28, v3  }
0x84: {  	v8 =	vld [tilespmem:s31+$0xFFFFFFE0];
	v0 =	vadd.f32 v29, v0;
	v16 =	vadd.f32 v11, v16  }
0x85: {  	v9 =	vld [tilespmem:s31+$0x60];
	v3 =	vadd.f32 v22, v1;
	v1 =	vadd.f32 v23, v2  }
0x86: {  	v12 =	vld [tilespmem:s31+$0x70];
	v2 =	vadd.f32 v24, v15;
	v0 =	vadd.f32 v25, v0  }
0x87: {  	v11 =	vld [tilespmem:s31+$0xE0];
	v15 =	vadd.f32 v18, v14;
	v14 =	vadd.f32 v19, v13  }
0x88: {  	s25 =	simm.s32 $0x0;
	s26 =	simm.s32 $0xB700;
	v13 =	vld [tilespmem:s31+$0xF0];
	v17 =	vadd.f32 v17, v16;
	v16 =	vadd.f32 v63, v20  }
.LBB2_5:
0x89: {  	v18 =	vld [tilespmem:s26+$0x80];
	v8 =	vadd.f32 v8, v15;
	v10 =	vadd.f32 v10, v14  }
0x8a: {  	v14 =	vld [tilespmem:s26+$0x90];
	v7 =	vadd.f32 v7, v17;
	v6 =	vadd.f32 v6, v16  }
0x8b: {  	v15 =	vld [tilespmem:s26+$0xA0];
	v8 =	vadd.f32 v9, v8;
	v9 =	vadd.f32 v12, v10  }
0x8c: {  	v12 =	vld [tilespmem:s26+$0xB0];
	v16 =	vadd.f32 v5, v7;
	v17 =	vadd.f32 v4, v6  }
0x8d: {  	v5 =	vld [tilespmem:s26+$0xC0];
	v11 =	vadd.f32 v11, v8;
	v13 =	vadd.f32 v13, v9  }
0x8e: {  	v4 =	vld [tilespmem:s26+$0xD0]  }
0x8f: {  	v8 =	vld [tilespmem:s26+$0x0]  }
0x90: {  	v9 =	vld [tilespmem:s26+$0x10]  }
0x91: {  	v10 =	vld [tilespmem:s26+$0x20]  }
0x92: {  	v19 =	vld [tilespmem:s26+$0x30]  }
0x93: {  	v7 =	vld [tilespmem:s26+$0x40]  }
0x94: {  	v6 =	vld [tilespmem:s26+$0x50]  }
0x95: {  	v20 =	vld [tilespmem:s26+$0xFFFFFF80]  }
0x96: {  	v21 =	vld [tilespmem:s26+$0xFFFFFF90]  }
0x97: {  	v22 =	vld [tilespmem:s26+$0xFFFFFF00]  }
0x98: {  	v23 =	vld [tilespmem:s26+$0xFFFFFF10]  }
0x99: {  	v24 =	vld [tilespmem:s26+$0xFFFFFF20]  }
0x9a: {  	v25 =	vld [tilespmem:s26+$0xFFFFFF30]  }
0x9b: {  	v26 =	vld [tilespmem:s26+$0xFFFFFFA0]  }
0x9c: {  	v27 =	vld [tilespmem:s26+$0xFFFFFFB0]  }
0x9d: {  	v28 =	vld [tilespmem:s26+$0xFFFFFFC0]  }
0x9e: {  	v3 =	vadd.f32 v22, v3;
	v1 =	vadd.f32 v23, v1;
	v22 =	vld [tilespmem:s26+$0xFFFFFFD0]  }
0x9f: {  	v2 =	vadd.f32 v24, v2;
	v0 =	vadd.f32 v25, v0;
	v23 =	vld [tilespmem:s26+$0xFFFFFF40]  }
0xa0: {  	v3 =	vadd.f32 v20, v3;
	v1 =	vadd.f32 v21, v1;
	v24 =	vld [tilespmem:s26+$0xFFFFFF50]  }
0xa1: {  	v2 =	vadd.f32 v26, v2;
	v20 =	vld [tilespmem:s26+$0xFFFFFF60];
	v0 =	vadd.f32 v27, v0  }
0xa2: {  	s25 =	sadd.s32 $0x4, s25;
	v3 =	vadd.f32 v8, v3;
	v1 =	vadd.f32 v9, v1;
	v21 =	vld [tilespmem:s26+$0xFFFFFF70]  }
0xa3: {  	p1 =	slt.u32 s25, $0x60;
	v2 =	vadd.f32 v10, v2;
	v8 =	vld [tilespmem:s26+$0xFFFFFFE0];
	v0 =	vadd.f32 v19, v0  }
.Ltmp1:
0xa4: {  	v3 =	vadd.f32 v18, v3;
	v1 =	vadd.f32 v14, v1;
	v10 =	vld [tilespmem:s26+$0xFFFFFFF0];
	(pc) =	sbr.rel @p1 .LBB2_5-.Ltmp1, $4  }
0xa5: {  	v2 =	vadd.f32 v15, v2;
	v9 =	vld [tilespmem:s26+$0x60];
	v0 =	vadd.f32 v12, v0  }
0xa6: {  	v16 =	vadd.f32 v23, v16;
	v18 =	vadd.f32 v24, v17;
	v12 =	vld [tilespmem:s26+$0x70]  }
0xa7: {  	v15 =	vadd.f32 v20, v11;
	v14 =	vadd.f32 v21, v13;
	v11 =	vld [tilespmem:s26+$0xE0]  }
0xa8: {  	v17 =	vadd.f32 v28, v16;
	v16 =	vadd.f32 v22, v18;
	v13 =	vld [tilespmem:s26+$0xF0];
	s26 =	sadd.s32 $0x200, s26  }
0xa9: {  	v18 =	vmul.f32 v3, v3;
	v19 =	vmul.f32 v1, v1;
	_ =	sdelay $0x1  }
0xaa: {  	v7 =	vadd.f32 v7, v17;
	v17 =	vadd.f32 v19, v18;
	v18 =	vmul.f32 v2, v2  }
0xab: {  	v8 =	vadd.f32 v8, v15;
	v6 =	vadd.f32 v6, v16  }
0xac: {  	v15 =	vmul.f32 v0, v0;
	v5 =	vadd.f32 v5, v7;
	v7 =	vadd.f32 v18, v17  }
0xad: {  	v10 =	vadd.f32 v10, v14;
	v8 =	vadd.f32 v9, v8  }
0xae: {  	v4 =	vadd.f32 v4, v6;
	v6 =	vadd.f32 v15, v7;
	v7 =	vmul.f32 v5, v5  }
0xaf: {  	v9 =	vadd.f32 v12, v10  }
0xb0: {  	v8 =	vadd.f32 v11, v8;
	v6 =	vadd.f32 v7, v6;
	v7 =	vmul.f32 v4, v4;
	_ =	sdelay $0x1  }
0xb1: {  	v9 =	vadd.f32 v13, v9;
	v6 =	vadd.f32 v7, v6;
	v7 =	vmul.f32 v8, v8;
	_ =	sdelay $0x1  }
0xb2: {  	v6 =	vadd.f32 v7, v6;
	v7 =	vmul.f32 v9, v9;
	_ =	sdelay $0x1  }
0xb3: {  	v6 =	vadd.f32 v7, v6;
	_ =	sdelay $0x1  }
0xb4: {  	(v2sf) =	vpush v6, $0x0  }
0xb5: {  	(v2sf) =	vpush v6, $0x1;
	_ =	sdelay $0x1  }
0xb6: {  	(v2sf) =	vpush v6, $0x2;
	_ =	sdelay $0x1  }
0xb7: {  	(v2sf) =	vpush v6, $0x3;
	_ =	sdelay $0x1  }
0xb8: {  	(v2sf) =	vpush v6, $0x4;
	_ =	sdelay $0x1  }
0xb9: {  	(v2sf) =	vpush v6, $0x5;
	_ =	sdelay $0x1  }
0xba: {  	(v2sf) =	vpush v6, $0x6;
	_ =	sdelay $0x1  }
0xbb: {  	(v2sf) =	vpush v6, $0x7;
	_ =	sdelay $0x1  }
0xbc: {  	s25 =	spop (v2sf);
	(v2sf) =	vpush v6, $0x8  }
0xbd: {  	s26 =	spop (v2sf)  }
0xbe: {  	(v2sf) =	vpush v6, $0x9;
	s25 =	sadd.f32 s26, s25  }
0xbf: {  	s29 =	spop (v2sf)  }
0xc0: {  	(v2sf) =	vpush v6, $0xA;
	s25 =	sadd.f32 s25, s29  }
0xc1: {  	s30 =	spop (v2sf)  }
0xc2: {  	(v2sf) =	vpush v6, $0xB;
	s25 =	sadd.f32 s25, s30  }
0xc3: {  	s31 =	spop (v2sf)  }
0xc4: {  	(v2sf) =	vpush v6, $0xC;
	s25 =	sadd.f32 s25, s31  }
0xc5: {  	s28 =	spop (v2sf)  }
0xc6: {  	(v2sf) =	vpush v6, $0xD;
	s25 =	sadd.f32 s25, s28  }
0xc7: {  	s29 =	spop (v2sf)  }
0xc8: {  	(v2sf) =	vpush v6, $0xE;
	s25 =	sadd.f32 s25, s29  }
0xc9: {  	s30 =	spop (v2sf)  }
0xca: {  	(v2sf) =	vpush v6, $0xF;
	s25 =	sadd.f32 s25, s30  }
0xcb: {  	s31 =	spop (v2sf)  }
0xcc: {  	s25 =	sadd.f32 s25, s31  }
0xcd: {  	s28 =	spop (v2sf)  }
0xce: {  	s25 =	sadd.f32 s25, s28  }
0xcf: {  	s29 =	spop (v2sf)  }
0xd0: {  	s25 =	sadd.f32 s25, s29  }
0xd1: {  	s30 =	spop (v2sf)  }
0xd2: {  	s25 =	sadd.f32 s25, s30  }
0xd3: {  	s31 =	spop (v2sf)  }
0xd4: {  	s25 =	sadd.f32 s25, s31  }
0xd5: {  	s28 =	spop (v2sf)  }
0xd6: {  	s25 =	sadd.f32 s25, s28  }
0xd7: {  	s29 =	spop (v2sf)  }
0xd8: {  	s25 =	sadd.f32 s25, s29  }
0xd9: {  	s30 =	spop (v2sf)  }
0xda: {  	s25 =	sadd.f32 s25, s30;
	_ =	sdelay $0x1  }
0xdb: {  	s25 =	smul.f32 $2.499999940e-05, s25;
	_ =	sdelay $0x1  }
0xdc: {  	v6 =	vmov s25  }
0xdd: {  	v6 =	vmax.f32 v6, $9.999999960e-13  }
0xde: {  	v6 =	vbroadcast v6, $0x0;
	_ =	sdelay $0x1  }
0xdf: {  	v7 =	vshra.s32 v6, $0x1;
	v6 =	vmul.f32 $5.000000000e-01, v6  }
0xe0: {  	v7 =	vsub.s32 $0x5F3759DF, v7  }
0xe1: {  	v10 =	vmul.f32 v7, v6;
	_ =	sdelay $0x1  }
0xe2: {  	v10 =	vmul.f32 v7, v10;
	_ =	sdelay $0x1  }
0xe3: {  	v10 =	vsub.f32 $1.500000000e+00, v10;
	_ =	sdelay $0x1  }
0xe4: {  	v7 =	vmul.f32 v7, v10;
	_ =	sdelay $0x1  }
0xe5: {  	v10 =	vmul.f32 v7, v6;
	_ =	sdelay $0x1  }
0xe6: {  	v10 =	vmul.f32 v10, v7;
	_ =	sdelay $0x1  }
0xe7: {  	v10 =	vsub.f32 $1.500000000e+00, v10;
	_ =	sdelay $0x1  }
0xe8: {  	v7 =	vmul.f32 v10, v7;
	_ =	sdelay $0x1  }
0xe9: {  	v6 =	vmul.f32 v7, v6;
	_ =	sdelay $0x1  }
0xea: {  	v6 =	vmul.f32 v6, v7;
	_ =	sdelay $0x1  }
0xeb: {  	v6 =	vsub.f32 $1.500000000e+00, v6;
	_ =	sdelay $0x1  }
0xec: {  	v6 =	vmul.f32 v6, v7;
	_ =	sdelay $0x1  }
0xed: {  	v6 =	vmul.f32 $4.999999890e-03, v6;
	_ =	sdelay $0x1  }
0xee: {  	s26 =	simm.s32 @!p0 $0x64;
	s28 =	simm.s32 @!p0 $0xB400;
	s25 =	sadd.s32 @!p0 $0x280, s24;
	v3 =	vmul.f32 v6, v3  }
0xef: {  	[tilespmem:s28], [sflag:$0x2] =	stream.indirect.gather @!p0 [hbm4b:s1+s26], $0x80, s25, s26, $0xb8;
	v1 =	vmul.f32 v6, v1;
	[tilespmem:$0x15100] =	vst v63  }
0xf0: {  	v2 =	vmul.f32 v6, v2;
	[tilespmem:$0x15000] =	vst v3  }
0xf1: {  	v0 =	vmul.f32 v6, v0;
	[tilespmem:$0x15010] =	vst v1  }
0xf2: {  	[tilespmem:$0x15020] =	vst v2;
	v1 =	vmul.f32 v6, v5  }
0xf3: {  	[tilespmem:$0x15030] =	vst v0;
	v0 =	vmul.f32 v6, v4  }
0xf4: {  	[tilespmem:$0x15040] =	vst v1;
	v1 =	vmul.f32 v6, v8  }
0xf5: {  	[tilespmem:$0x15050] =	vst v0;
	v0 =	vmul.f32 v6, v9  }
0xf6: {  	[tilespmem:$0x15060] =	vst v1  }
0xf7: {  	[tilespmem:$0x15070] =	vst v0  }
0xf8: {  	_ =	swait.ge [sflag:s18], $0x3200  }
0xf9: {  	[sflag:s18] =	ssyncset.done $0x0  }
0xfa: {  	s31 =	simm.s32 $0xE900;
	[sflag:s18] =	ssyncadd.s32 $0xFFFFCE00  }
0xfb: {  	v4 =	vld [tilespmem:s31+$0x80]  }
0xfc: {  	v5 =	vld [tilespmem:s31+$0x90]  }
0xfd: {  	v6 =	vld [tilespmem:s31+$0xA0]  }
0xfe: {  	v7 =	vld [tilespmem:s31+$0xB0]  }
0xff: {  	v0 =	vld [tilespmem:s31+$0xC0]  }
0x100: {  	v1 =	vld [tilespmem:s31+$0xD0]  }
0x101: {  	v8 =	vld [tilespmem:s31+$0x0]  }
0x102: {  	v9 =	vld [tilespmem:s31+$0x10]  }
0x103: {  	v10 =	vld [tilespmem:s31+$0x20]  }
0x104: {  	v11 =	vld [tilespmem:s31+$0x30]  }
0x105: {  	v2 =	vld [tilespmem:s31+$0x40]  }
0x106: {  	v3 =	vld [tilespmem:s31+$0x50]  }
0x107: {  	v12 =	vld [tilespmem:s31+$0xFFFFFF80]  }
0x108: {  	v13 =	vld [tilespmem:s31+$0xFFFFFF90]  }
0x109: {  	v14 =	vld [tilespmem:s31+$0xFFFFFF00]  }
0x10a: {  	v15 =	vld [tilespmem:s31+$0xFFFFFF10]  }
0x10b: {  	v16 =	vld [tilespmem:s31+$0xFFFFFF20]  }
0x10c: {  	v17 =	vld [tilespmem:s31+$0xFFFFFF30]  }
0x10d: {  	v18 =	vld [tilespmem:s31+$0xFFFFFFA0]  }
0x10e: {  	v19 =	vld [tilespmem:s31+$0xFFFFFFB0]  }
0x10f: {  	v20 =	vimm.f32 $0.0e+00;
	v21 =	vld [tilespmem:s31+$0xFFFFFFC0]  }
0x110: {  	v22 =	vld [tilespmem:s31+$0xFFFFFFD0];
	v14 =	vadd.f32 v14, v20;
	v15 =	vadd.f32 v15, v20  }
0x111: {  	v23 =	vld [tilespmem:s31+$0xFFFFFF40];
	v16 =	vadd.f32 v16, v20;
	v17 =	vadd.f32 v17, v20  }
0x112: {  	v24 =	vld [tilespmem:s31+$0xFFFFFF50];
	v12 =	vadd.f32 v12, v14;
	v13 =	vadd.f32 v13, v15  }
0x113: {  	v14 =	vld [tilespmem:s31+$0xFFFFFF60];
	v15 =	vadd.f32 v18, v16;
	v16 =	vadd.f32 v19, v17  }
0x114: {  	v17 =	vld [tilespmem:s31+$0xFFFFFF70];
	v8 =	vadd.f32 v8, v12;
	v9 =	vadd.f32 v9, v13  }
0x115: {  	v12 =	vld [tilespmem:s31+$0xFFFFFFE0];
	v10 =	vadd.f32 v10, v15;
	v11 =	vadd.f32 v11, v16  }
0x116: {  	v15 =	vld [tilespmem:s31+$0xFFFFFFF0];
	v8 =	vadd.f32 v4, v8;
	v9 =	vadd.f32 v5, v9  }
0x117: {  	v13 =	vld [tilespmem:s31+$0x60];
	v10 =	vadd.f32 v6, v10;
	v11 =	vadd.f32 v7, v11  }
0x118: {  	v16 =	vld [tilespmem:s31+$0x70];
	v4 =	vadd.f32 v23, v20;
	v5 =	vadd.f32 v24, v20  }
0x119: {  	v18 =	vadd.f32 v14, v20;
	v19 =	vadd.f32 v17, v20;
	v14 =	vld [tilespmem:s31+$0xE0]  }
0x11a: {  	s25 =	simm.s32 $0x0;
	s26 =	simm.s32 $0xEB00;
	v17 =	vld [tilespmem:s31+$0xF0];
	v20 =	vadd.f32 v21, v4;
	v21 =	vadd.f32 v22, v5  }
.LBB2_7:
0x11b: {  	v4 =	vld [tilespmem:s26+$0x80];
	v5 =	vadd.f32 v12, v18;
	v6 =	vadd.f32 v15, v19  }
0x11c: {  	v7 =	vld [tilespmem:s26+$0x90];
	v2 =	vadd.f32 v2, v20;
	v3 =	vadd.f32 v3, v21  }
0x11d: {  	v18 =	vld [tilespmem:s26+$0xA0];
	v5 =	vadd.f32 v13, v5;
	v6 =	vadd.f32 v16, v6  }
0x11e: {  	v16 =	vld [tilespmem:s26+$0xB0];
	v19 =	vadd.f32 v0, v2;
	v20 =	vadd.f32 v1, v3  }
0x11f: {  	v0 =	vld [tilespmem:s26+$0xC0];
	v5 =	vadd.f32 v14, v5;
	v6 =	vadd.f32 v17, v6  }
0x120: {  	v1 =	vld [tilespmem:s26+$0xD0]  }
0x121: {  	v12 =	vld [tilespmem:s26+$0x0]  }
0x122: {  	v13 =	vld [tilespmem:s26+$0x10]  }
0x123: {  	v14 =	vld [tilespmem:s26+$0x20]  }
0x124: {  	v15 =	vld [tilespmem:s26+$0x30]  }
0x125: {  	v2 =	vld [tilespmem:s26+$0x40]  }
0x126: {  	v3 =	vld [tilespmem:s26+$0x50]  }
0x127: {  	v17 =	vld [tilespmem:s26+$0xFFFFFF80]  }
0x128: {  	v21 =	vld [tilespmem:s26+$0xFFFFFF90]  }
0x129: {  	v22 =	vld [tilespmem:s26+$0xFFFFFF00]  }
0x12a: {  	v23 =	vld [tilespmem:s26+$0xFFFFFF10]  }
0x12b: {  	v24 =	vld [tilespmem:s26+$0xFFFFFF20]  }
0x12c: {  	v25 =	vld [tilespmem:s26+$0xFFFFFF30]  }
0x12d: {  	v26 =	vld [tilespmem:s26+$0xFFFFFFA0]  }
0x12e: {  	v27 =	vld [tilespmem:s26+$0xFFFFFFB0]  }
0x12f: {  	v28 =	vld [tilespmem:s26+$0xFFFFFFC0]  }
0x130: {  	v8 =	vadd.f32 v22, v8;
	v9 =	vadd.f32 v23, v9;
	v22 =	vld [tilespmem:s26+$0xFFFFFFD0]  }
0x131: {  	v10 =	vadd.f32 v24, v10;
	v11 =	vadd.f32 v25, v11;
	v23 =	vld [tilespmem:s26+$0xFFFFFF40]  }
0x132: {  	v8 =	vadd.f32 v17, v8;
	v9 =	vadd.f32 v21, v9;
	v24 =	vld [tilespmem:s26+$0xFFFFFF50]  }
0x133: {  	v10 =	vadd.f32 v26, v10;
	v17 =	vld [tilespmem:s26+$0xFFFFFF60];
	v11 =	vadd.f32 v27, v11  }
0x134: {  	s25 =	sadd.s32 $0x4, s25;
	v8 =	vadd.f32 v12, v8;
	v9 =	vadd.f32 v13, v9;
	v21 =	vld [tilespmem:s26+$0xFFFFFF70]  }
0x135: {  	p1 =	slt.u32 s25, $0x60;
	v10 =	vadd.f32 v14, v10;
	v12 =	vld [tilespmem:s26+$0xFFFFFFE0];
	v11 =	vadd.f32 v15, v11  }
.Ltmp2:
0x136: {  	v8 =	vadd.f32 v4, v8;
	v9 =	vadd.f32 v7, v9;
	v15 =	vld [tilespmem:s26+$0xFFFFFFF0];
	(pc) =	sbr.rel @p1 .LBB2_7-.Ltmp2, $4  }
0x137: {  	v10 =	vadd.f32 v18, v10;
	v13 =	vld [tilespmem:s26+$0x60];
	v11 =	vadd.f32 v16, v11  }
0x138: {  	v4 =	vadd.f32 v23, v19;
	v7 =	vadd.f32 v24, v20;
	v16 =	vld [tilespmem:s26+$0x70]  }
0x139: {  	v18 =	vadd.f32 v17, v5;
	v19 =	vadd.f32 v21, v6;
	v14 =	vld [tilespmem:s26+$0xE0]  }
0x13a: {  	v20 =	vadd.f32 v28, v4;
	v21 =	vadd.f32 v22, v7;
	v17 =	vld [tilespmem:s26+$0xF0];
	s26 =	sadd.s32 $0x200, s26  }
0x13b: {  	s25 =	sadd.s32 @!p0 $0x300, s24;
	s26 =	simm.s32 @!p0 $0x64;
	s28 =	simm.s32 @!p0 $0xE800  }
0x13c: {  	[tilespmem:s28], [sflag:$0x3] =	stream.indirect.gather @!p0 [hbm4b:s1+s26], $0x80, s25, s26, $0xb8;
	[tilespmem:$0x15100] =	vst v63  }
0x13d: {  	_ =	swait.ge [sflag:s19], $0x3200  }
0x13e: {  	[sflag:s19] =	ssyncset.done $0x0  }
0x13f: {  	s31 =	simm.s32 $0x11D00;
	[sflag:s19] =	ssyncadd.s32 $0xFFFFCE00  }
0x140: {  	v22 =	vld [tilespmem:s31+$0x80]  }
0x141: {  	v23 =	vld [tilespmem:s31+$0x90]  }
0x142: {  	v24 =	vld [tilespmem:s31+$0xA0]  }
0x143: {  	v25 =	vld [tilespmem:s31+$0xB0]  }
0x144: {  	v5 =	vld [tilespmem:s31+$0xC0]  }
0x145: {  	v4 =	vld [tilespmem:s31+$0xD0]  }
0x146: {  	v26 =	vld [tilespmem:s31+$0x0]  }
0x147: {  	v27 =	vld [tilespmem:s31+$0x10]  }
0x148: {  	v28 =	vld [tilespmem:s31+$0x20]  }
0x149: {  	v29 =	vld [tilespmem:s31+$0x30]  }
0x14a: {  	v7 =	vld [tilespmem:s31+$0x40]  }
0x14b: {  	v6 =	vld [tilespmem:s31+$0x50]  }
0x14c: {  	v30 =	vld [tilespmem:s31+$0xFFFFFF80]  }
0x14d: {  	v31 =	vld [tilespmem:s31+$0xFFFFFF90]  }
0x14e: {  	v12 =	vadd.f32 v12, v18;
	v32 =	vld [tilespmem:s31+$0xFFFFFF00]  }
0x14f: {  	v33 =	vld [tilespmem:s31+$0xFFFFFF10]  }
0x150: {  	v15 =	vadd.f32 v15, v19;
	v12 =	vadd.f32 v13, v12;
	v18 =	vld [tilespmem:s31+$0xFFFFFF20]  }
0x151: {  	v2 =	vadd.f32 v2, v20;
	v3 =	vadd.f32 v3, v21;
	v19 =	vld [tilespmem:s31+$0xFFFFFF30]  }
0x152: {  	v13 =	vadd.f32 v16, v15;
	v14 =	vadd.f32 v14, v12;
	v12 =	vld [tilespmem:s31+$0xFFFFFF50]  }
0x153: {  	v16 =	vadd.f32 v0, v2;
	v15 =	vld [tilespmem:s31+$0xFFFFFFA0]  }
0x154: {  	v62 =	vadd.f32 v1, v3;
	v13 =	vadd.f32 v17, v13;
	v0 =	vld [tilespmem:s31+$0xFFFFFFB0]  }
0x155: {  	v17 =	vld [tilespmem:s31+$0xFFFFFFC0];
	v1 =	vadd.f32 v32, v8;
	v2 =	vadd.f32 v33, v9  }
0x156: {  	v3 =	vadd.f32 v18, v10;
	v8 =	vadd.f32 v19, v11;
	v11 =	vld [tilespmem:s31+$0xFFFFFF40]  }
0x157: {  	v63 =	vld [tilespmem:s31+$0xFFFFFFD0];
	v20 =	vadd.f32 v12, v62;
	v1 =	vadd.f32 v30, v1  }
0x158: {  	v18 =	vld [tilespmem:s31+$0xFFFFFF60];
	v2 =	vadd.f32 v31, v2;
	v3 =	vadd.f32 v15, v3  }
0x159: {  	v19 =	vld [tilespmem:s31+$0xFFFFFF70];
	v0 =	vadd.f32 v0, v8;
	v1 =	vadd.f32 v26, v1  }
0x15a: {  	v10 =	vld [tilespmem:s31+$0xFFFFFFF0];
	v2 =	vadd.f32 v27, v2;
	v15 =	vadd.f32 v28, v3  }
0x15b: {  	v8 =	vld [tilespmem:s31+$0xFFFFFFE0];
	v0 =	vadd.f32 v29, v0;
	v16 =	vadd.f32 v11, v16  }
0x15c: {  	v9 =	vld [tilespmem:s31+$0x60];
	v3 =	vadd.f32 v22, v1;
	v1 =	vadd.f32 v23, v2  }
0x15d: {  	v12 =	vld [tilespmem:s31+$0x70];
	v2 =	vadd.f32 v24, v15;
	v0 =	vadd.f32 v25, v0  }
0x15e: {  	v11 =	vld [tilespmem:s31+$0xE0];
	v15 =	vadd.f32 v18, v14;
	v14 =	vadd.f32 v19, v13  }
0x15f: {  	s25 =	simm.s32 $0x0;
	s26 =	simm.s32 $0x11F00;
	v13 =	vld [tilespmem:s31+$0xF0];
	v17 =	vadd.f32 v17, v16;
	v16 =	vadd.f32 v63, v20  }
.LBB2_9:
0x160: {  	v18 =	vld [tilespmem:s26+$0x80];
	v8 =	vadd.f32 v8, v15;
	v10 =	vadd.f32 v10, v14  }
0x161: {  	v14 =	vld [tilespmem:s26+$0x90];
	v7 =	vadd.f32 v7, v17;
	v6 =	vadd.f32 v6, v16  }
0x162: {  	v15 =	vld [tilespmem:s26+$0xA0];
	v8 =	vadd.f32 v9, v8;
	v9 =	vadd.f32 v12, v10  }
0x163: {  	v12 =	vld [tilespmem:s26+$0xB0];
	v16 =	vadd.f32 v5, v7;
	v17 =	vadd.f32 v4, v6  }
0x164: {  	v5 =	vld [tilespmem:s26+$0xC0];
	v11 =	vadd.f32 v11, v8;
	v13 =	vadd.f32 v13, v9  }
0x165: {  	v4 =	vld [tilespmem:s26+$0xD0]  }
0x166: {  	v8 =	vld [tilespmem:s26+$0x0]  }
0x167: {  	v9 =	vld [tilespmem:s26+$0x10]  }
0x168: {  	v10 =	vld [tilespmem:s26+$0x20]  }
0x169: {  	v19 =	vld [tilespmem:s26+$0x30]  }
0x16a: {  	v7 =	vld [tilespmem:s26+$0x40]  }
0x16b: {  	v6 =	vld [tilespmem:s26+$0x50]  }
0x16c: {  	v20 =	vld [tilespmem:s26+$0xFFFFFF80]  }
0x16d: {  	v21 =	vld [tilespmem:s26+$0xFFFFFF90]  }
0x16e: {  	v22 =	vld [tilespmem:s26+$0xFFFFFF00]  }
0x16f: {  	v23 =	vld [tilespmem:s26+$0xFFFFFF10]  }
0x170: {  	v24 =	vld [tilespmem:s26+$0xFFFFFF20]  }
0x171: {  	v25 =	vld [tilespmem:s26+$0xFFFFFF30]  }
0x172: {  	v26 =	vld [tilespmem:s26+$0xFFFFFFA0]  }
0x173: {  	v27 =	vld [tilespmem:s26+$0xFFFFFFB0]  }
0x174: {  	v28 =	vld [tilespmem:s26+$0xFFFFFFC0]  }
0x175: {  	v3 =	vadd.f32 v22, v3;
	v1 =	vadd.f32 v23, v1;
	v22 =	vld [tilespmem:s26+$0xFFFFFFD0]  }
0x176: {  	v2 =	vadd.f32 v24, v2;
	v0 =	vadd.f32 v25, v0;
	v23 =	vld [tilespmem:s26+$0xFFFFFF40]  }
0x177: {  	v3 =	vadd.f32 v20, v3;
	v1 =	vadd.f32 v21, v1;
	v24 =	vld [tilespmem:s26+$0xFFFFFF50]  }
0x178: {  	v2 =	vadd.f32 v26, v2;
	v20 =	vld [tilespmem:s26+$0xFFFFFF60];
	v0 =	vadd.f32 v27, v0  }
0x179: {  	s25 =	sadd.s32 $0x4, s25;
	v3 =	vadd.f32 v8, v3;
	v1 =	vadd.f32 v9, v1;
	v21 =	vld [tilespmem:s26+$0xFFFFFF70]  }
0x17a: {  	p1 =	slt.u32 s25, $0x60;
	v2 =	vadd.f32 v10, v2;
	v8 =	vld [tilespmem:s26+$0xFFFFFFE0];
	v0 =	vadd.f32 v19, v0  }
.Ltmp3:
0x17b: {  	v3 =	vadd.f32 v18, v3;
	v1 =	vadd.f32 v14, v1;
	v10 =	vld [tilespmem:s26+$0xFFFFFFF0];
	(pc) =	sbr.rel @p1 .LBB2_9-.Ltmp3, $4  }
0x17c: {  	v2 =	vadd.f32 v15, v2;
	v9 =	vld [tilespmem:s26+$0x60];
	v0 =	vadd.f32 v12, v0  }
0x17d: {  	v16 =	vadd.f32 v23, v16;
	v18 =	vadd.f32 v24, v17;
	v12 =	vld [tilespmem:s26+$0x70]  }
0x17e: {  	v15 =	vadd.f32 v20, v11;
	v14 =	vadd.f32 v21, v13;
	v11 =	vld [tilespmem:s26+$0xE0]  }
0x17f: {  	v17 =	vadd.f32 v28, v16;
	v16 =	vadd.f32 v22, v18;
	v13 =	vld [tilespmem:s26+$0xF0];
	s26 =	sadd.s32 $0x200, s26  }
0x180: {  	v18 =	vmul.f32 v3, v3;
	v19 =	vmul.f32 v1, v1;
	_ =	sdelay $0x1  }
0x181: {  	v44 =	vmul.f32 v2, v2;
	v7 =	vadd.f32 v7, v17;
	v43 =	vadd.f32 v19, v18  }
0x182: {  	v8 =	vadd.f32 v8, v15;
	v6 =	vadd.f32 v6, v16  }
0x183: {  	v46 =	vmul.f32 v0, v0;
	v5 =	vadd.f32 v5, v7;
	v45 =	vadd.f32 v44, v43  }
0x184: {  	v10 =	vadd.f32 v10, v14;
	v8 =	vadd.f32 v9, v8  }
0x185: {  	v4 =	vadd.f32 v4, v6;
	v48 =	vmul.f32 v5, v5;
	v47 =	vadd.f32 v46, v45  }
0x186: {  	v49 =	vadd.f32 v12, v10  }
0x187: {  	v8 =	vadd.f32 v11, v8;
	v50 =	vmul.f32 v4, v4;
	v6 =	vadd.f32 v48, v47;
	_ =	sdelay $0x1  }
0x188: {  	v9 =	vadd.f32 v13, v49;
	v51 =	vmul.f32 v8, v8;
	v6 =	vadd.f32 v50, v6;
	_ =	sdelay $0x1  }
0x189: {  	v52 =	vmul.f32 v9, v9;
	v6 =	vadd.f32 v51, v6;
	_ =	sdelay $0x1  }
0x18a: {  	v6 =	vadd.f32 v52, v6;
	_ =	sdelay $0x1  }
0x18b: {  	(v2sf) =	vpush v6, $0x0  }
0x18c: {  	(v2sf) =	vpush v6, $0x1;
	_ =	sdelay $0x1  }
0x18d: {  	(v2sf) =	vpush v6, $0x2;
	_ =	sdelay $0x1  }
0x18e: {  	(v2sf) =	vpush v6, $0x3;
	_ =	sdelay $0x1  }
0x18f: {  	(v2sf) =	vpush v6, $0x4;
	_ =	sdelay $0x1  }
0x190: {  	(v2sf) =	vpush v6, $0x5;
	_ =	sdelay $0x1  }
0x191: {  	(v2sf) =	vpush v6, $0x6;
	_ =	sdelay $0x1  }
0x192: {  	(v2sf) =	vpush v6, $0x7;
	_ =	sdelay $0x1  }
0x193: {  	s25 =	spop (v2sf);
	(v2sf) =	vpush v6, $0x8  }
0x194: {  	s26 =	spop (v2sf)  }
0x195: {  	(v2sf) =	vpush v6, $0x9;
	s25 =	sadd.f32 s26, s25  }
0x196: {  	s29 =	spop (v2sf)  }
0x197: {  	(v2sf) =	vpush v6, $0xA;
	s25 =	sadd.f32 s25, s29  }
0x198: {  	s30 =	spop (v2sf)  }
0x199: {  	(v2sf) =	vpush v6, $0xB;
	s25 =	sadd.f32 s25, s30  }
0x19a: {  	s31 =	spop (v2sf)  }
0x19b: {  	(v2sf) =	vpush v6, $0xC;
	s25 =	sadd.f32 s25, s31  }
0x19c: {  	s28 =	spop (v2sf)  }
0x19d: {  	(v2sf) =	vpush v6, $0xD;
	s25 =	sadd.f32 s25, s28  }
0x19e: {  	s29 =	spop (v2sf)  }
0x19f: {  	(v2sf) =	vpush v6, $0xE;
	s25 =	sadd.f32 s25, s29  }
0x1a0: {  	s30 =	spop (v2sf)  }
0x1a1: {  	(v2sf) =	vpush v6, $0xF;
	s25 =	sadd.f32 s25, s30  }
0x1a2: {  	s31 =	spop (v2sf)  }
0x1a3: {  	s25 =	sadd.f32 s25, s31  }
0x1a4: {  	s28 =	spop (v2sf)  }
0x1a5: {  	s25 =	sadd.f32 s25, s28  }
0x1a6: {  	s29 =	spop (v2sf)  }
0x1a7: {  	s25 =	sadd.f32 s25, s29  }
0x1a8: {  	s30 =	spop (v2sf)  }
0x1a9: {  	s25 =	sadd.f32 s25, s30  }
0x1aa: {  	s31 =	spop (v2sf)  }
0x1ab: {  	s25 =	sadd.f32 s25, s31  }
0x1ac: {  	s28 =	spop (v2sf)  }
0x1ad: {  	s25 =	sadd.f32 s25, s28  }
0x1ae: {  	s29 =	spop (v2sf)  }
0x1af: {  	s25 =	sadd.f32 s25, s29  }
0x1b0: {  	s30 =	spop (v2sf)  }
0x1b1: {  	s25 =	sadd.f32 s25, s30;
	_ =	sdelay $0x1  }
0x1b2: {  	s25 =	smul.f32 $2.499999940e-05, s25;
	_ =	sdelay $0x1  }
0x1b3: {  	v53 =	vmov s25  }
0x1b4: {  	v6 =	vmax.f32 v53, $9.999999960e-13  }
0x1b5: {  	v6 =	vbroadcast v6, $0x0;
	_ =	sdelay $0x1  }
0x1b6: {  	v54 =	vshra.s32 v6, $0x1;
	v6 =	vmul.f32 $5.000000000e-01, v6  }
0x1b7: {  	v7 =	vsub.s32 $0x5F3759DF, v54  }
0x1b8: {  	v55 =	vmul.f32 v7, v6;
	_ =	sdelay $0x1  }
0x1b9: {  	v10 =	vmul.f32 v7, v55;
	_ =	sdelay $0x1  }
0x1ba: {  	v10 =	vsub.f32 $1.500000000e+00, v10;
	_ =	sdelay $0x1  }
0x1bb: {  	v7 =	vmul.f32 v7, v10;
	_ =	sdelay $0x1  }
0x1bc: {  	v10 =	vmul.f32 v7, v6;
	_ =	sdelay $0x1  }
0x1bd: {  	v10 =	vmul.f32 v10, v7;
	_ =	sdelay $0x1  }
0x1be: {  	v10 =	vsub.f32 $1.500000000e+00, v10;
	_ =	sdelay $0x1  }
0x1bf: {  	v7 =	vmul.f32 v10, v7;
	_ =	sdelay $0x1  }
0x1c0: {  	v6 =	vmul.f32 v7, v6;
	_ =	sdelay $0x1  }
0x1c1: {  	v6 =	vmul.f32 v6, v7;
	_ =	sdelay $0x1  }
0x1c2: {  	v6 =	vsub.f32 $1.500000000e+00, v6;
	_ =	sdelay $0x1  }
0x1c3: {  	v6 =	vmul.f32 v6, v7;
	_ =	sdelay $0x1  }
0x1c4: {  	v6 =	vmul.f32 $4.999999890e-03, v6;
	_ =	sdelay $0x1  }
0x1c5: {  	s24 =	sadd.s32 @!p0 $0x380, s24;
	s26 =	simm.s32 @!p0 $0x11C00;
	s25 =	simm.s32 @!p0 $0x64;
	v56 =	vmul.f32 v6, v3  }
0x1c6: {  	[tilespmem:s26], [sflag:$0x4] =	stream.indirect.gather @!p0 [hbm4b:s1+s25], $0x80, s24, s25, $0xb8;
	v57 =	vmul.f32 v6, v1;
	[tilespmem:$0x15100] =	vst v63  }
0x1c7: {  	v58 =	vmul.f32 v6, v2;
	[tilespmem:$0x15080] =	vst v56  }
0x1c8: {  	v59 =	vmul.f32 v6, v0;
	[tilespmem:$0x15090] =	vst v57  }
0x1c9: {  	s31 =	sshll.u32 s23, $0x5;
	s23 =	sadd.s32 $0x1, s23;
	v60 =	vmul.f32 v6, v5;
	[tilespmem:$0x150A0] =	vst v58  }
0x1ca: {  	p0 =	sne.s32 s23, $0x40;
	v61 =	vmul.f32 v6, v4;
	[tilespmem:$0x150B0] =	vst v59  }
.Ltmp4:
0x1cb: {  	v62 =	vmul.f32 v6, v8;
	[tilespmem:$0x150C0] =	vst v60;
	(pc) =	sbr.rel @p0 .LBB2_2-.Ltmp4, $4  }
0x1cc: {  	v63 =	vmul.f32 v6, v9;
	[tilespmem:$0x150D0] =	vst v61  }
0x1cd: {  	[tilespmem:$0x150E0] =	vst v62  }
0x1ce: {  	s24 =	sadd.s32 s31, s5;
	[tilespmem:$0x150F0] =	vst v63  }
0x1cf: {  	[hbm4b:s24+s3] =	stream.linear.scatter [tilespmem:s20], [sflag:$0x5], $0x100, $0x38;
	[tilespmem:$0x15100] =	vst v63  }
0x1d0: {  	s22 =	sadd.s32 $0x1, s22  }
0x1d1: {  	p0 =	sne.s32 s22, s6  }
.Ltmp5:
0x1d2: {  	_ = 	snop;
	(pc) =	sbr.rel @p0 .LBB2_1-.Ltmp5, $4  }
0x1d3: {  	_ = 	snop  }
0x1d4: {  	_ =	swait.ge [sflag:s21], $0x100  }
0x1d5: {  	[sflag:s21] =	ssyncset.done $0x0  }
0x1d6: {  	[sflag:s21] =	ssyncadd.s32 $0xFFFFFF00  }
0x1d7: {  	_ =	sfence.sel $0x180000  }
0x1d8: {  	[bflag:$0x0] =	sbarrier.arrive $0xFFFF  }
0x1d9: {  	p0 =	sne.s32 s0, $0x0;
	_ =	strace $0x90000047  }
0x1da: {  	s0 =	sadd.s32 @!p0 $0x100000, s2;
	[bflag:$0x2] =	sbarrier.arrive $0xFFFF  }
0x1db: {  	[sflag:s0] =	ssyncadd.tile.s32 @!p0 $0x1;
	_ =	shalt  }
.Lfunc_end2:
_tile_overlayer_lowered:
.L_overlay_start_2:
0x1dc: {  	(tag) =	ssettag $0x2  }
0x1dd: {  	s0 =	rddreg [dreg:$0x0];
	s2 =	stileid.u32  }
0x1de: {  	s1 =	rddreg [dreg:$0x1];
	p0 =	sne.s32 s2, $0x0  }
0x1df: {  	s3 =	rddreg [dreg:$0x2];
	[bflag:$0x3] =	sbarrier.arrive $0xFFFF;
	s2 =	simm.s32 @!p0 $0x1C06  }
0x1e0: {  	[timem:s3], [sflag:s2] =	dma.local @!p0 [hbm:s0], s1  }
0x1e1: {  	s0 =	simm.s32 @!p0 $0x6  }
0x1e2: {  	_ =	swait.ge @!p0 [sflag:s0], s1  }
0x1e3: {  	s1 =	ssub.s32 @!p0 $0x0, s1;
	[sflag:s0] =	ssyncset.done @!p0 $0x0  }
0x1e4: {  	[sflag:s0] =	ssyncadd.s32 @!p0 s1  }
0x1e5: {  	[bflag:$0x3] =	sbarrier.arrive $0xFFFF  }
0x1e6: {  	_ =	shalt  }

</sc_bundles>
